<compile_context>
chip_gen: v7x
topology: tpu7x:2x2x1
jax: 0.10.2.dev20260603
libtpu: 0.0.44.dev20260713+nightly
codegen_flags: <defaults>
</compile_context>

<pallas_src>
import jax
import jax.numpy as jnp
from jax import lax
from jax.experimental import pallas as pl
from jax.experimental.pallas import tpu as pltpu
from jax.experimental.pallas import tpu_sc as plsc

N_NODES = 10000
N_EDGES = 320000
D_FEAT = 128

NUM_CORES = 2
NUM_SUBCORES = 16
NUM_WORKERS = NUM_CORES * NUM_SUBCORES

CHUNK = 32
NBUF = 6
EDGES_PER_TILE = 10000
NUM_FULL = EDGES_PER_TILE // CHUNK
TAIL = EDGES_PER_TILE - NUM_FULL * CHUNK
N_PAD = 10240
ROWS_PER_TILE = N_PAD // NUM_SUBCORES
ZERO_STEPS = ROWS_PER_TILE // CHUNK
ZERO_TAIL = ROWS_PER_TILE - ZERO_STEPS * CHUNK


def _sc_body(x_hbm, row_hbm, col_hbm, zeros_hbm, out_hbm, *scr):
    col1d, row1d = scr[0], scr[1]
    bufs = scr[2:2 + NBUF]
    rings = scr[2 + NBUF:2 + 2 * NBUF]
    acc_sh = scr[2 + 2 * NBUF]
    gsems = scr[3 + 2 * NBUF:3 + 3 * NBUF]
    ssems = scr[3 + 3 * NBUF:3 + 4 * NBUF]
    zsem = scr[3 + 4 * NBUF]
    tbuf = scr[4 + 4 * NBUF]
    tring = scr[5 + 4 * NBUF]
    cid = lax.axis_index("c")
    sid = lax.axis_index("s")
    wid = cid * NUM_SUBCORES + sid

    pltpu.sync_copy(col_hbm.at[wid], col1d)
    pltpu.sync_copy(row_hbm.at[wid], row1d)

    buf0 = bufs[0]
    pltpu.sync_copy(zeros_hbm, buf0)
    for j in range(ZERO_STEPS):
        pltpu.async_copy(
            buf0, acc_sh.at[pl.ds(sid * ROWS_PER_TILE + j * CHUNK, CHUNK)], zsem)
    if ZERO_TAIL:
        pltpu.async_copy(
            buf0.at[pl.ds(0, ZERO_TAIL)],
            acc_sh.at[pl.ds(sid * ROWS_PER_TILE + ZERO_STEPS * CHUNK, ZERO_TAIL)],
            zsem)
    for j in range(ZERO_STEPS):
        pltpu.make_async_copy(
            buf0, acc_sh.at[pl.ds(sid * ROWS_PER_TILE + j * CHUNK, CHUNK)], zsem
        ).wait()
    if ZERO_TAIL:
        pltpu.make_async_copy(
            buf0.at[pl.ds(0, ZERO_TAIL)],
            acc_sh.at[pl.ds(sid * ROWS_PER_TILE + ZERO_STEPS * CHUNK, ZERO_TAIL)],
            zsem).wait()
    plsc.subcore_barrier()

    def start_gather(i, buf, sem):
        idx = col1d.at[pl.ds(pl.multiple_of(i * CHUNK, 8), CHUNK)]
        pltpu.async_copy(x_hbm.at[idx], buf, sem)

    def wait_gather(i, buf, sem):
        idx = col1d.at[pl.ds(pl.multiple_of(i * CHUNK, 8), CHUNK)]
        pltpu.make_async_copy(x_hbm.at[idx], buf, sem).wait()

    def fill_ring(i, ring):
        base = pl.multiple_of(i * CHUNK, 8)
        for q in range(CHUNK // 16):
            ring[pl.ds(q * 16, 16)] = row1d[pl.ds(base + q * 16, 16)]

    def start_scatter(buf, ring, sem):
        pltpu.async_copy(buf, acc_sh.at[ring], sem, add=True)

    def wait_scatter(buf, ring, sem):
        pltpu.make_async_copy(buf, acc_sh.at[ring], sem).wait()

    for j in range(NBUF):
        start_gather(j, bufs[j], gsems[j])

    def step(k, carry):
        c0 = NBUF * k
        for j in range(NBUF):
            c = c0 + j
            wait_gather(c, bufs[j], gsems[j])
            fill_ring(c, rings[j])
            start_scatter(bufs[j], rings[j], ssems[j])
        for j in range(NBUF):
            c = c0 + j
            wait_scatter(bufs[j], rings[j], ssems[j])

            @pl.when(c + NBUF < NUM_FULL)
            def _():
                start_gather(c + NBUF, bufs[j], gsems[j])

        return carry

    lax.fori_loop(0, NUM_FULL // NBUF, step, 0)

    tb = NUM_FULL * CHUNK
    tring[pl.ds(0, 16)] = col1d[pl.ds(tb, 16)]
    pltpu.async_copy(x_hbm.at[tring], tbuf, gsems[0])
    pltpu.make_async_copy(x_hbm.at[tring], tbuf, gsems[0]).wait()
    tring[pl.ds(0, 16)] = row1d[pl.ds(tb, 16)]
    pltpu.async_copy(tbuf, acc_sh.at[tring], ssems[0], add=True)
    pltpu.make_async_copy(tbuf, acc_sh.at[tring], ssems[0]).wait()
    plsc.subcore_barrier()

    r0 = sid * ROWS_PER_TILE
    pltpu.sync_copy(acc_sh.at[pl.ds(r0, ROWS_PER_TILE)],
                    out_hbm.at[cid, pl.ds(r0, ROWS_PER_TILE)])


_sc_scatter = pl.kernel(
    _sc_body,
    out_type=jax.ShapeDtypeStruct((NUM_CORES, N_PAD, D_FEAT), jnp.float32),
    mesh=plsc.VectorSubcoreMesh(core_axis_name="c", subcore_axis_name="s",
                                num_cores=NUM_CORES),
    scratch_types=(
        [pltpu.VMEM((EDGES_PER_TILE,), jnp.int32)] * 2
        + [pltpu.VMEM((CHUNK, D_FEAT), jnp.float32)] * NBUF
        + [pltpu.VMEM((CHUNK,), jnp.int32)] * NBUF
        + [pltpu.VMEM_SHARED((N_PAD, D_FEAT), jnp.float32)]
        + [pltpu.SemaphoreType.DMA] * (2 * NBUF + 1)
        + [pltpu.VMEM((TAIL, D_FEAT), jnp.float32)]
        + [pltpu.VMEM((TAIL,), jnp.int32)]
    ),
)


def _combine_body(p_ref, o_ref):
    o_ref[...] = p_ref[0] + p_ref[1]


_combine = pl.pallas_call(
    _combine_body,
    grid=(2,),
    in_specs=[pl.BlockSpec((NUM_CORES, 5000, D_FEAT), lambda i: (0, i, 0))],
    out_specs=pl.BlockSpec((5000, D_FEAT), lambda i: (i, 0)),
    out_shape=jax.ShapeDtypeStruct((N_NODES, D_FEAT), jnp.float32),
)


@jax.jit
def kernel(x, edge_index):
    ei = edge_index.astype(jnp.int32)
    row = ei[0].reshape(NUM_WORKERS, EDGES_PER_TILE)
    col = ei[1].reshape(NUM_WORKERS, EDGES_PER_TILE)
    zeros = jnp.zeros((CHUNK, D_FEAT), jnp.float32)
    partials = _sc_scatter(x, row, col, zeros)
    return _combine(partials)

# --- scband reference (transcript-rebuilt; emitter-appended) ---
"""Pipeline reference for scband-message-passing-49744311222856 (READ-ONLY COPY).

The authoritative reference and input builder live on the scoring server;
editing this copy changes nothing except your own understanding.
"""

import jax, jax.numpy as jnp
import numpy as np

N_NODES = 10000
N_EDGES = 320000
D_FEAT = 128


def setup_inputs(seed: int = 0) -> dict:
    key = jax.random.key(seed)
    k1, k2 = jax.random.split(key)
    x = jax.random.normal(k1, (N_NODES, D_FEAT), dtype=jnp.float32)
    edge_index = jax.random.randint(k2, (2, N_EDGES), 0, N_NODES, dtype=jnp.int64)
    return {"x": x, "edge_index": edge_index}


def reference(x, edge_index):
    # MessagePassing base class with aggr='add':
    #   message(x_j) = x_j        (gather source-node features over edges)
    #   scatter_('add', out, row) (scatter-add into destination nodes)
    #   update(aggr_out) = aggr_out
    row = edge_index[0]
    col = edge_index[1]
    messages = jnp.take(x, col, axis=0)            # x_j = x[col], shape [E, d]
    out = jax.ops.segment_sum(messages, row, num_segments=x.shape[0])
    return out

if __name__ == "__main__":
    import jax
    _d = setup_inputs()
    print(jax.jit(kernel)(*tuple(_d.values())))

</pallas_src>

<mosaic_0001>
#map = affine_map<(d0, d1) -> (0, 0)>
#map1 = affine_map<(d0, d1) -> (0, 0, 0)>
module attributes {stable_mosaic.version = 14 : i64} {
  func.func @_sc_body(%arg0: i32, %arg1: i32, %arg2: memref<10000x128xf32, #tpu.memory_space<hbm>>, %arg3: memref<32x10000xi32, #tpu.memory_space<hbm>>, %arg4: memref<32x10000xi32, #tpu.memory_space<hbm>>, %arg5: memref<32x128xf32, #tpu.memory_space<hbm>>, %arg6: memref<2x10240x128xf32, #tpu.memory_space<hbm>>, %arg7: memref<10000xi32, #tpu.memory_space<vmem>>, %arg8: memref<10000xi32, #tpu.memory_space<vmem>>, %arg9: memref<32x128xf32, #tpu.memory_space<vmem>>, %arg10: memref<32x128xf32, #tpu.memory_space<vmem>>, %arg11: memref<32x128xf32, #tpu.memory_space<vmem>>, %arg12: memref<32x128xf32, #tpu.memory_space<vmem>>, %arg13: memref<32x128xf32, #tpu.memory_space<vmem>>, %arg14: memref<32x128xf32, #tpu.memory_space<vmem>>, %arg15: memref<32xi32, #tpu.memory_space<vmem>>, %arg16: memref<32xi32, #tpu.memory_space<vmem>>, %arg17: memref<32xi32, #tpu.memory_space<vmem>>, %arg18: memref<32xi32, #tpu.memory_space<vmem>>, %arg19: memref<32xi32, #tpu.memory_space<vmem>>, %arg20: memref<32xi32, #tpu.memory_space<vmem>>, %arg21: memref<10240x128xf32, #tpu.memory_space<vmem_shared>>, %arg22: memref<!tpu.dma_semaphore, #tpu.memory_space<semaphore_mem>>, %arg23: memref<!tpu.dma_semaphore, #tpu.memory_space<semaphore_mem>>, %arg24: memref<!tpu.dma_semaphore, #tpu.memory_space<semaphore_mem>>, %arg25: memref<!tpu.dma_semaphore, #tpu.memory_space<semaphore_mem>>, %arg26: memref<!tpu.dma_semaphore, #tpu.memory_space<semaphore_mem>>, %arg27: memref<!tpu.dma_semaphore, #tpu.memory_space<semaphore_mem>>, %arg28: memref<!tpu.dma_semaphore, #tpu.memory_space<semaphore_mem>>, %arg29: memref<!tpu.dma_semaphore, #tpu.memory_space<semaphore_mem>>, %arg30: memref<!tpu.dma_semaphore, #tpu.memory_space<semaphore_mem>>, %arg31: memref<!tpu.dma_semaphore, #tpu.memory_space<semaphore_mem>>, %arg32: memref<!tpu.dma_semaphore, #tpu.memory_space<semaphore_mem>>, %arg33: memref<!tpu.dma_semaphore, #tpu.memory_space<semaphore_mem>>, %arg34: memref<!tpu.dma_semaphore, #tpu.memory_space<semaphore_mem>>, %arg35: memref<16x128xf32, #tpu.memory_space<vmem>>, %arg36: memref<16xi32, #tpu.memory_space<vmem>>) attributes {dimension_semantics = [#tpu.dimension_semantics<core_parallel>, #tpu.dimension_semantics<subcore_parallel>], iteration_bounds = array<i64: 2, 16>, scalar_prefetch = 0 : i64, scratch_operands = 30 : i64, tpu.core_type = #tpu.core_type<sc_vector_subcore>, window_params = [{transform_indices = #map}, {transform_indices = #map}, {transform_indices = #map}, {transform_indices = #map}, {transform_indices = #map1}]} {
    %mul3A = arith.constant 16 : i32
    %mul3A_0 = arith.muli %arg0, %mul3A : i32
    %add3A = arith.addi %mul3A_0, %arg1 : i32
    "tpu.region"() ({
      %run_scoped3A = tpu.sem_alloc : memref<!tpu.dma_semaphore, #tpu.memory_space<semaphore_mem>>
      %dma_start3A_386 = arith.constant 0 : i32
      %dma_start3A_387 = tpu.memref_slice %arg4[%add3A, %dma_start3A_386] : memref<32x10000xi32, #tpu.memory_space<hbm>> -> memref<1x10000xi32, #tpu.memory_space<hbm>>
      %dma_start3A_388 = tpu.memref_squeeze %dma_start3A_387 : memref<1x10000xi32, #tpu.memory_space<hbm>> -> memref<10000xi32, #tpu.memory_space<hbm>>
      %dma_start3A_389 = arith.constant 0 : i32
      %dma_start3A_390 = tpu.memref_slice %arg4[%add3A, %dma_start3A_389] : memref<32x10000xi32, #tpu.memory_space<hbm>> -> memref<1x10000xi32, #tpu.memory_space<hbm>>
      %dma_start3A_391 = tpu.memref_squeeze %dma_start3A_390 : memref<1x10000xi32, #tpu.memory_space<hbm>> -> memref<10000xi32, #tpu.memory_space<hbm>>
      tpu.enqueue_dma source(%dma_start3A_391 : memref<10000xi32, #tpu.memory_space<hbm>>) target(%arg7 : memref<10000xi32, #tpu.memory_space<vmem>>) target_semaphore(%run_scoped3A : memref<!tpu.dma_semaphore, #tpu.memory_space<semaphore_mem>>)
      %dma_wait3A_392 = arith.constant 0 : i32
      %dma_wait3A_393 = tpu.memref_slice %arg4[%add3A, %dma_wait3A_392] : memref<32x10000xi32, #tpu.memory_space<hbm>> -> memref<1x10000xi32, #tpu.memory_space<hbm>>
      %dma_wait3A_394 = tpu.memref_squeeze %dma_wait3A_393 : memref<1x10000xi32, #tpu.memory_space<hbm>> -> memref<10000xi32, #tpu.memory_space<hbm>>
      %dma_wait3A_395 = arith.constant 0 : i32
      %dma_wait3A_396 = tpu.memref_slice %arg4[%add3A, %dma_wait3A_395] : memref<32x10000xi32, #tpu.memory_space<hbm>> -> memref<1x10000xi32, #tpu.memory_space<hbm>>
      %dma_wait3A_397 = tpu.memref_squeeze %dma_wait3A_396 : memref<1x10000xi32, #tpu.memory_space<hbm>> -> memref<10000xi32, #tpu.memory_space<hbm>>
      tpu.wait_dma2 semaphore(%run_scoped3A : memref<!tpu.dma_semaphore, #tpu.memory_space<semaphore_mem>>) src(%dma_wait3A_397 : memref<10000xi32, #tpu.memory_space<hbm>>) dst(%arg7 : memref<10000xi32, #tpu.memory_space<vmem>>)
      tpu.yield
    }) : () -> ()
    "tpu.region"() ({
      %run_scoped3A = tpu.sem_alloc : memref<!tpu.dma_semaphore, #tpu.memory_space<semaphore_mem>>
      %dma_start3A_386 = arith.constant 0 : i32
      %dma_start3A_387 = tpu.memref_slice %arg3[%add3A, %dma_start3A_386] : memref<32x10000xi32, #tpu.memory_space<hbm>> -> memref<1x10000xi32, #tpu.memory_space<hbm>>
      %dma_start3A_388 = tpu.memref_squeeze %dma_start3A_387 : memref<1x10000xi32, #tpu.memory_space<hbm>> -> memref<10000xi32, #tpu.memory_space<hbm>>
      %dma_start3A_389 = arith.constant 0 : i32
      %dma_start3A_390 = tpu.memref_slice %arg3[%add3A, %dma_start3A_389] : memref<32x10000xi32, #tpu.memory_space<hbm>> -> memref<1x10000xi32, #tpu.memory_space<hbm>>
      %dma_start3A_391 = tpu.memref_squeeze %dma_start3A_390 : memref<1x10000xi32, #tpu.memory_space<hbm>> -> memref<10000xi32, #tpu.memory_space<hbm>>
      tpu.enqueue_dma source(%dma_start3A_391 : memref<10000xi32, #tpu.memory_space<hbm>>) target(%arg8 : memref<10000xi32, #tpu.memory_space<vmem>>) target_semaphore(%run_scoped3A : memref<!tpu.dma_semaphore, #tpu.memory_space<semaphore_mem>>)
      %dma_wait3A_392 = arith.constant 0 : i32
      %dma_wait3A_393 = tpu.memref_slice %arg3[%add3A, %dma_wait3A_392] : memref<32x10000xi32, #tpu.memory_space<hbm>> -> memref<1x10000xi32, #tpu.memory_space<hbm>>
      %dma_wait3A_394 = tpu.memref_squeeze %dma_wait3A_393 : memref<1x10000xi32, #tpu.memory_space<hbm>> -> memref<10000xi32, #tpu.memory_space<hbm>>
      %dma_wait3A_395 = arith.constant 0 : i32
      %dma_wait3A_396 = tpu.memref_slice %arg3[%add3A, %dma_wait3A_395] : memref<32x10000xi32, #tpu.memory_space<hbm>> -> memref<1x10000xi32, #tpu.memory_space<hbm>>
      %dma_wait3A_397 = tpu.memref_squeeze %dma_wait3A_396 : memref<1x10000xi32, #tpu.memory_space<hbm>> -> memref<10000xi32, #tpu.memory_space<hbm>>
      tpu.wait_dma2 semaphore(%run_scoped3A : memref<!tpu.dma_semaphore, #tpu.memory_space<semaphore_mem>>) src(%dma_wait3A_397 : memref<10000xi32, #tpu.memory_space<hbm>>) dst(%arg8 : memref<10000xi32, #tpu.memory_space<vmem>>)
      tpu.yield
    }) : () -> ()
    "tpu.region"() ({
      %run_scoped3A = tpu.sem_alloc : memref<!tpu.dma_semaphore, #tpu.memory_space<semaphore_mem>>
      tpu.enqueue_dma source(%arg5 : memref<32x128xf32, #tpu.memory_space<hbm>>) target(%arg9 : memref<32x128xf32, #tpu.memory_space<vmem>>) target_semaphore(%run_scoped3A : memref<!tpu.dma_semaphore, #tpu.memory_space<semaphore_mem>>)
      tpu.wait_dma2 semaphore(%run_scoped3A : memref<!tpu.dma_semaphore, #tpu.memory_space<semaphore_mem>>) src(%arg5 : memref<32x128xf32, #tpu.memory_space<hbm>>) dst(%arg9 : memref<32x128xf32, #tpu.memory_space<vmem>>)
      tpu.yield
    }) : () -> ()
    %mul3A_1 = arith.constant 640 : i32
    %mul3A_2 = arith.muli %arg1, %mul3A_1 : i32
    %add3A_3 = arith.constant 0 : i32
    %add3A_4 = arith.addi %mul3A_2, %add3A_3 : i32
    %dma_start3A = arith.constant 0 : i32
    %dma_start3A_5 = tpu.memref_slice %arg21[%add3A_4, %dma_start3A] : memref<10240x128xf32, #tpu.memory_space<vmem_shared>> -> memref<32x128xf32, #tpu.memory_space<vmem_shared>>
    %dma_start3A_6 = arith.constant 0 : i32
    %dma_start3A_7 = tpu.memref_slice %arg21[%add3A_4, %dma_start3A_6] : memref<10240x128xf32, #tpu.memory_space<vmem_shared>> -> memref<32x128xf32, #tpu.memory_space<vmem_shared>>
    tpu.enqueue_dma source(%arg9 : memref<32x128xf32, #tpu.memory_space<vmem>>) target(%dma_start3A_7 : memref<32x128xf32, #tpu.memory_space<vmem_shared>>) target_semaphore(%arg34 : memref<!tpu.dma_semaphore, #tpu.memory_space<semaphore_mem>>)
    %mul3A_8 = arith.constant 640 : i32
    %mul3A_9 = arith.muli %arg1, %mul3A_8 : i32
    %add3A_10 = arith.constant 32 : i32
    %add3A_11 = arith.addi %mul3A_9, %add3A_10 : i32
    %dma_start3A_12 = arith.constant 0 : i32
    %dma_start3A_13 = tpu.memref_slice %arg21[%add3A_11, %dma_start3A_12] : memref<10240x128xf32, #tpu.memory_space<vmem_shared>> -> memref<32x128xf32, #tpu.memory_space<vmem_shared>>
    %dma_start3A_14 = arith.constant 0 : i32
    %dma_start3A_15 = tpu.memref_slice %arg21[%add3A_11, %dma_start3A_14] : memref<10240x128xf32, #tpu.memory_space<vmem_shared>> -> memref<32x128xf32, #tpu.memory_space<vmem_shared>>
    tpu.enqueue_dma source(%arg9 : memref<32x128xf32, #tpu.memory_space<vmem>>) target(%dma_start3A_15 : memref<32x128xf32, #tpu.memory_space<vmem_shared>>) target_semaphore(%arg34 : memref<!tpu.dma_semaphore, #tpu.memory_space<semaphore_mem>>)
    %mul3A_16 = arith.constant 640 : i32
    %mul3A_17 = arith.muli %arg1, %mul3A_16 : i32
    %add3A_18 = arith.constant 64 : i32
    %add3A_19 = arith.addi %mul3A_17, %add3A_18 : i32
    %dma_start3A_20 = arith.constant 0 : i32
    %dma_start3A_21 = tpu.memref_slice %arg21[%add3A_19, %dma_start3A_20] : memref<10240x128xf32, #tpu.memory_space<vmem_shared>> -> memref<32x128xf32, #tpu.memory_space<vmem_shared>>
    %dma_start3A_22 = arith.constant 0 : i32
    %dma_start3A_23 = tpu.memref_slice %arg21[%add3A_19, %dma_start3A_22] : memref<10240x128xf32, #tpu.memory_space<vmem_shared>> -> memref<32x128xf32, #tpu.memory_space<vmem_shared>>
    tpu.enqueue_dma source(%arg9 : memref<32x128xf32, #tpu.memory_space<vmem>>) target(%dma_start3A_23 : memref<32x128xf32, #tpu.memory_space<vmem_shared>>) target_semaphore(%arg34 : memref<!tpu.dma_semaphore, #tpu.memory_space<semaphore_mem>>)
    %mul3A_24 = arith.constant 640 : i32
    %mul3A_25 = arith.muli %arg1, %mul3A_24 : i32
    %add3A_26 = arith.constant 96 : i32
    %add3A_27 = arith.addi %mul3A_25, %add3A_26 : i32
    %dma_start3A_28 = arith.constant 0 : i32
    %dma_start3A_29 = tpu.memref_slice %arg21[%add3A_27, %dma_start3A_28] : memref<10240x128xf32, #tpu.memory_space<vmem_shared>> -> memref<32x128xf32, #tpu.memory_space<vmem_shared>>
    %dma_start3A_30 = arith.constant 0 : i32
    %dma_start3A_31 = tpu.memref_slice %arg21[%add3A_27, %dma_start3A_30] : memref<10240x128xf32, #tpu.memory_space<vmem_shared>> -> memref<32x128xf32, #tpu.memory_space<vmem_shared>>
    tpu.enqueue_dma source(%arg9 : memref<32x128xf32, #tpu.memory_space<vmem>>) target(%dma_start3A_31 : memref<32x128xf32, #tpu.memory_space<vmem_shared>>) target_semaphore(%arg34 : memref<!tpu.dma_semaphore, #tpu.memory_space<semaphore_mem>>)
    %mul3A_32 = arith.constant 640 : i32
    %mul3A_33 = arith.muli %arg1, %mul3A_32 : i32
    %add3A_34 = arith.constant 128 : i32
    %add3A_35 = arith.addi %mul3A_33, %add3A_34 : i32
    %dma_start3A_36 = arith.constant 0 : i32
    %dma_start3A_37 = tpu.memref_slice %arg21[%add3A_35, %dma_start3A_36] : memref<10240x128xf32, #tpu.memory_space<vmem_shared>> -> memref<32x128xf32, #tpu.memory_space<vmem_shared>>
    %dma_start3A_38 = arith.constant 0 : i32
    %dma_start3A_39 = tpu.memref_slice %arg21[%add3A_35, %dma_start3A_38] : memref<10240x128xf32, #tpu.memory_space<vmem_shared>> -> memref<32x128xf32, #tpu.memory_space<vmem_shared>>
    tpu.enqueue_dma source(%arg9 : memref<32x128xf32, #tpu.memory_space<vmem>>) target(%dma_start3A_39 : memref<32x128xf32, #tpu.memory_space<vmem_shared>>) target_semaphore(%arg34 : memref<!tpu.dma_semaphore, #tpu.memory_space<semaphore_mem>>)
    %mul3A_40 = arith.constant 640 : i32
    %mul3A_41 = arith.muli %arg1, %mul3A_40 : i32
    %add3A_42 = arith.constant 160 : i32
    %add3A_43 = arith.addi %mul3A_41, %add3A_42 : i32
    %dma_start3A_44 = arith.constant 0 : i32
    %dma_start3A_45 = tpu.memref_slice %arg21[%add3A_43, %dma_start3A_44] : memref<10240x128xf32, #tpu.memory_space<vmem_shared>> -> memref<32x128xf32, #tpu.memory_space<vmem_shared>>
    %dma_start3A_46 = arith.constant 0 : i32
    %dma_start3A_47 = tpu.memref_slice %arg21[%add3A_43, %dma_start3A_46] : memref<10240x128xf32, #tpu.memory_space<vmem_shared>> -> memref<32x128xf32, #tpu.memory_space<vmem_shared>>
    tpu.enqueue_dma source(%arg9 : memref<32x128xf32, #tpu.memory_space<vmem>>) target(%dma_start3A_47 : memref<32x128xf32, #tpu.memory_space<vmem_shared>>) target_semaphore(%arg34 : memref<!tpu.dma_semaphore, #tpu.memory_space<semaphore_mem>>)
    %mul3A_48 = arith.constant 640 : i32
    %mul3A_49 = arith.muli %arg1, %mul3A_48 : i32
    %add3A_50 = arith.constant 192 : i32
    %add3A_51 = arith.addi %mul3A_49, %add3A_50 : i32
    %dma_start3A_52 = arith.constant 0 : i32
    %dma_start3A_53 = tpu.memref_slice %arg21[%add3A_51, %dma_start3A_52] : memref<10240x128xf32, #tpu.memory_space<vmem_shared>> -> memref<32x128xf32, #tpu.memory_space<vmem_shared>>
    %dma_start3A_54 = arith.constant 0 : i32
    %dma_start3A_55 = tpu.memref_slice %arg21[%add3A_51, %dma_start3A_54] : memref<10240x128xf32, #tpu.memory_space<vmem_shared>> -> memref<32x128xf32, #tpu.memory_space<vmem_shared>>
    tpu.enqueue_dma source(%arg9 : memref<32x128xf32, #tpu.memory_space<vmem>>) target(%dma_start3A_55 : memref<32x128xf32, #tpu.memory_space<vmem_shared>>) target_semaphore(%arg34 : memref<!tpu.dma_semaphore, #tpu.memory_space<semaphore_mem>>)
    %mul3A_56 = arith.constant 640 : i32
    %mul3A_57 = arith.muli %arg1, %mul3A_56 : i32
    %add3A_58 = arith.constant 224 : i32
    %add3A_59 = arith.addi %mul3A_57, %add3A_58 : i32
    %dma_start3A_60 = arith.constant 0 : i32
    %dma_start3A_61 = tpu.memref_slice %arg21[%add3A_59, %dma_start3A_60] : memref<10240x128xf32, #tpu.memory_space<vmem_shared>> -> memref<32x128xf32, #tpu.memory_space<vmem_shared>>
    %dma_start3A_62 = arith.constant 0 : i32
    %dma_start3A_63 = tpu.memref_slice %arg21[%add3A_59, %dma_start3A_62] : memref<10240x128xf32, #tpu.memory_space<vmem_shared>> -> memref<32x128xf32, #tpu.memory_space<vmem_shared>>
    tpu.enqueue_dma source(%arg9 : memref<32x128xf32, #tpu.memory_space<vmem>>) target(%dma_start3A_63 : memref<32x128xf32, #tpu.memory_space<vmem_shared>>) target_semaphore(%arg34 : memref<!tpu.dma_semaphore, #tpu.memory_space<semaphore_mem>>)
    %mul3A_64 = arith.constant 640 : i32
    %mul3A_65 = arith.muli %arg1, %mul3A_64 : i32
    %add3A_66 = arith.constant 256 : i32
    %add3A_67 = arith.addi %mul3A_65, %add3A_66 : i32
    %dma_start3A_68 = arith.constant 0 : i32
    %dma_start3A_69 = tpu.memref_slice %arg21[%add3A_67, %dma_start3A_68] : memref<10240x128xf32, #tpu.memory_space<vmem_shared>> -> memref<32x128xf32, #tpu.memory_space<vmem_shared>>
    %dma_start3A_70 = arith.constant 0 : i32
    %dma_start3A_71 = tpu.memref_slice %arg21[%add3A_67, %dma_start3A_70] : memref<10240x128xf32, #tpu.memory_space<vmem_shared>> -> memref<32x128xf32, #tpu.memory_space<vmem_shared>>
    tpu.enqueue_dma source(%arg9 : memref<32x128xf32, #tpu.memory_space<vmem>>) target(%dma_start3A_71 : memref<32x128xf32, #tpu.memory_space<vmem_shared>>) target_semaphore(%arg34 : memref<!tpu.dma_semaphore, #tpu.memory_space<semaphore_mem>>)
    %mul3A_72 = arith.constant 640 : i32
    %mul3A_73 = arith.muli %arg1, %mul3A_72 : i32
    %add3A_74 = arith.constant 288 : i32
    %add3A_75 = arith.addi %mul3A_73, %add3A_74 : i32
    %dma_start3A_76 = arith.constant 0 : i32
    %dma_start3A_77 = tpu.memref_slice %arg21[%add3A_75, %dma_start3A_76] : memref<10240x128xf32, #tpu.memory_space<vmem_shared>> -> memref<32x128xf32, #tpu.memory_space<vmem_shared>>
    %dma_start3A_78 = arith.constant 0 : i32
    %dma_start3A_79 = tpu.memref_slice %arg21[%add3A_75, %dma_start3A_78] : memref<10240x128xf32, #tpu.memory_space<vmem_shared>> -> memref<32x128xf32, #tpu.memory_space<vmem_shared>>
    tpu.enqueue_dma source(%arg9 : memref<32x128xf32, #tpu.memory_space<vmem>>) target(%dma_start3A_79 : memref<32x128xf32, #tpu.memory_space<vmem_shared>>) target_semaphore(%arg34 : memref<!tpu.dma_semaphore, #tpu.memory_space<semaphore_mem>>)
    %mul3A_80 = arith.constant 640 : i32
    %mul3A_81 = arith.muli %arg1, %mul3A_80 : i32
    %add3A_82 = arith.constant 320 : i32
    %add3A_83 = arith.addi %mul3A_81, %add3A_82 : i32
    %dma_start3A_84 = arith.constant 0 : i32
    %dma_start3A_85 = tpu.memref_slice %arg21[%add3A_83, %dma_start3A_84] : memref<10240x128xf32, #tpu.memory_space<vmem_shared>> -> memref<32x128xf32, #tpu.memory_space<vmem_shared>>
    %dma_start3A_86 = arith.constant 0 : i32
    %dma_start3A_87 = tpu.memref_slice %arg21[%add3A_83, %dma_start3A_86] : memref<10240x128xf32, #tpu.memory_space<vmem_shared>> -> memref<32x128xf32, #tpu.memory_space<vmem_shared>>
    tpu.enqueue_dma source(%arg9 : memref<32x128xf32, #tpu.memory_space<vmem>>) target(%dma_start3A_87 : memref<32x128xf32, #tpu.memory_space<vmem_shared>>) target_semaphore(%arg34 : memref<!tpu.dma_semaphore, #tpu.memory_space<semaphore_mem>>)
    %mul3A_88 = arith.constant 640 : i32
    %mul3A_89 = arith.muli %arg1, %mul3A_88 : i32
    %add3A_90 = arith.constant 352 : i32
    %add3A_91 = arith.addi %mul3A_89, %add3A_90 : i32
    %dma_start3A_92 = arith.constant 0 : i32
    %dma_start3A_93 = tpu.memref_slice %arg21[%add3A_91, %dma_start3A_92] : memref<10240x128xf32, #tpu.memory_space<vmem_shared>> -> memref<32x128xf32, #tpu.memory_space<vmem_shared>>
    %dma_start3A_94 = arith.constant 0 : i32
    %dma_start3A_95 = tpu.memref_slice %arg21[%add3A_91, %dma_start3A_94] : memref<10240x128xf32, #tpu.memory_space<vmem_shared>> -> memref<32x128xf32, #tpu.memory_space<vmem_shared>>
    tpu.enqueue_dma source(%arg9 : memref<32x128xf32, #tpu.memory_space<vmem>>) target(%dma_start3A_95 : memref<32x128xf32, #tpu.memory_space<vmem_shared>>) target_semaphore(%arg34 : memref<!tpu.dma_semaphore, #tpu.memory_space<semaphore_mem>>)
    %mul3A_96 = arith.constant 640 : i32
    %mul3A_97 = arith.muli %arg1, %mul3A_96 : i32
    %add3A_98 = arith.constant 384 : i32
    %add3A_99 = arith.addi %mul3A_97, %add3A_98 : i32
    %dma_start3A_100 = arith.constant 0 : i32
    %dma_start3A_101 = tpu.memref_slice %arg21[%add3A_99, %dma_start3A_100] : memref<10240x128xf32, #tpu.memory_space<vmem_shared>> -> memref<32x128xf32, #tpu.memory_space<vmem_shared>>
    %dma_start3A_102 = arith.constant 0 : i32
    %dma_start3A_103 = tpu.memref_slice %arg21[%add3A_99, %dma_start3A_102] : memref<10240x128xf32, #tpu.memory_space<vmem_shared>> -> memref<32x128xf32, #tpu.memory_space<vmem_shared>>
    tpu.enqueue_dma source(%arg9 : memref<32x128xf32, #tpu.memory_space<vmem>>) target(%dma_start3A_103 : memref<32x128xf32, #tpu.memory_space<vmem_shared>>) target_semaphore(%arg34 : memref<!tpu.dma_semaphore, #tpu.memory_space<semaphore_mem>>)
    %mul3A_104 = arith.constant 640 : i32
    %mul3A_105 = arith.muli %arg1, %mul3A_104 : i32
    %add3A_106 = arith.constant 416 : i32
    %add3A_107 = arith.addi %mul3A_105, %add3A_106 : i32
    %dma_start3A_108 = arith.constant 0 : i32
    %dma_start3A_109 = tpu.memref_slice %arg21[%add3A_107, %dma_start3A_108] : memref<10240x128xf32, #tpu.memory_space<vmem_shared>> -> memref<32x128xf32, #tpu.memory_space<vmem_shared>>
    %dma_start3A_110 = arith.constant 0 : i32
    %dma_start3A_111 = tpu.memref_slice %arg21[%add3A_107, %dma_start3A_110] : memref<10240x128xf32, #tpu.memory_space<vmem_shared>> -> memref<32x128xf32, #tpu.memory_space<vmem_shared>>
    tpu.enqueue_dma source(%arg9 : memref<32x128xf32, #tpu.memory_space<vmem>>) target(%dma_start3A_111 : memref<32x128xf32, #tpu.memory_space<vmem_shared>>) target_semaphore(%arg34 : memref<!tpu.dma_semaphore, #tpu.memory_space<semaphore_mem>>)
    %mul3A_112 = arith.constant 640 : i32
    %mul3A_113 = arith.muli %arg1, %mul3A_112 : i32
    %add3A_114 = arith.constant 448 : i32
    %add3A_115 = arith.addi %mul3A_113, %add3A_114 : i32
    %dma_start3A_116 = arith.constant 0 : i32
    %dma_start3A_117 = tpu.memref_slice %arg21[%add3A_115, %dma_start3A_116] : memref<10240x128xf32, #tpu.memory_space<vmem_shared>> -> memref<32x128xf32, #tpu.memory_space<vmem_shared>>
    %dma_start3A_118 = arith.constant 0 : i32
    %dma_start3A_119 = tpu.memref_slice %arg21[%add3A_115, %dma_start3A_118] : memref<10240x128xf32, #tpu.memory_space<vmem_shared>> -> memref<32x128xf32, #tpu.memory_space<vmem_shared>>
    tpu.enqueue_dma source(%arg9 : memref<32x128xf32, #tpu.memory_space<vmem>>) target(%dma_start3A_119 : memref<32x128xf32, #tpu.memory_space<vmem_shared>>) target_semaphore(%arg34 : memref<!tpu.dma_semaphore, #tpu.memory_space<semaphore_mem>>)
    %mul3A_120 = arith.constant 640 : i32
    %mul3A_121 = arith.muli %arg1, %mul3A_120 : i32
    %add3A_122 = arith.constant 480 : i32
    %add3A_123 = arith.addi %mul3A_121, %add3A_122 : i32
    %dma_start3A_124 = arith.constant 0 : i32
    %dma_start3A_125 = tpu.memref_slice %arg21[%add3A_123, %dma_start3A_124] : memref<10240x128xf32, #tpu.memory_space<vmem_shared>> -> memref<32x128xf32, #tpu.memory_space<vmem_shared>>
    %dma_start3A_126 = arith.constant 0 : i32
    %dma_start3A_127 = tpu.memref_slice %arg21[%add3A_123, %dma_start3A_126] : memref<10240x128xf32, #tpu.memory_space<vmem_shared>> -> memref<32x128xf32, #tpu.memory_space<vmem_shared>>
    tpu.enqueue_dma source(%arg9 : memref<32x128xf32, #tpu.memory_space<vmem>>) target(%dma_start3A_127 : memref<32x128xf32, #tpu.memory_space<vmem_shared>>) target_semaphore(%arg34 : memref<!tpu.dma_semaphore, #tpu.memory_space<semaphore_mem>>)
    %mul3A_128 = arith.constant 640 : i32
    %mul3A_129 = arith.muli %arg1, %mul3A_128 : i32
    %add3A_130 = arith.constant 512 : i32
    %add3A_131 = arith.addi %mul3A_129, %add3A_130 : i32
    %dma_start3A_132 = arith.constant 0 : i32
    %dma_start3A_133 = tpu.memref_slice %arg21[%add3A_131, %dma_start3A_132] : memref<10240x128xf32, #tpu.memory_space<vmem_shared>> -> memref<32x128xf32, #tpu.memory_space<vmem_shared>>
    %dma_start3A_134 = arith.constant 0 : i32
    %dma_start3A_135 = tpu.memref_slice %arg21[%add3A_131, %dma_start3A_134] : memref<10240x128xf32, #tpu.memory_space<vmem_shared>> -> memref<32x128xf32, #tpu.memory_space<vmem_shared>>
    tpu.enqueue_dma source(%arg9 : memref<32x128xf32, #tpu.memory_space<vmem>>) target(%dma_start3A_135 : memref<32x128xf32, #tpu.memory_space<vmem_shared>>) target_semaphore(%arg34 : memref<!tpu.dma_semaphore, #tpu.memory_space<semaphore_mem>>)
    %mul3A_136 = arith.constant 640 : i32
    %mul3A_137 = arith.muli %arg1, %mul3A_136 : i32
    %add3A_138 = arith.constant 544 : i32
    %add3A_139 = arith.addi %mul3A_137, %add3A_138 : i32
    %dma_start3A_140 = arith.constant 0 : i32
    %dma_start3A_141 = tpu.memref_slice %arg21[%add3A_139, %dma_start3A_140] : memref<10240x128xf32, #tpu.memory_space<vmem_shared>> -> memref<32x128xf32, #tpu.memory_space<vmem_shared>>
    %dma_start3A_142 = arith.constant 0 : i32
    %dma_start3A_143 = tpu.memref_slice %arg21[%add3A_139, %dma_start3A_142] : memref<10240x128xf32, #tpu.memory_space<vmem_shared>> -> memref<32x128xf32, #tpu.memory_space<vmem_shared>>
    tpu.enqueue_dma source(%arg9 : memref<32x128xf32, #tpu.memory_space<vmem>>) target(%dma_start3A_143 : memref<32x128xf32, #tpu.memory_space<vmem_shared>>) target_semaphore(%arg34 : memref<!tpu.dma_semaphore, #tpu.memory_space<semaphore_mem>>)
    %mul3A_144 = arith.constant 640 : i32
    %mul3A_145 = arith.muli %arg1, %mul3A_144 : i32
    %add3A_146 = arith.constant 576 : i32
    %add3A_147 = arith.addi %mul3A_145, %add3A_146 : i32
    %dma_start3A_148 = arith.constant 0 : i32
    %dma_start3A_149 = tpu.memref_slice %arg21[%add3A_147, %dma_start3A_148] : memref<10240x128xf32, #tpu.memory_space<vmem_shared>> -> memref<32x128xf32, #tpu.memory_space<vmem_shared>>
    %dma_start3A_150 = arith.constant 0 : i32
    %dma_start3A_151 = tpu.memref_slice %arg21[%add3A_147, %dma_start3A_150] : memref<10240x128xf32, #tpu.memory_space<vmem_shared>> -> memref<32x128xf32, #tpu.memory_space<vmem_shared>>
    tpu.enqueue_dma source(%arg9 : memref<32x128xf32, #tpu.memory_space<vmem>>) target(%dma_start3A_151 : memref<32x128xf32, #tpu.memory_space<vmem_shared>>) target_semaphore(%arg34 : memref<!tpu.dma_semaphore, #tpu.memory_space<semaphore_mem>>)
    %mul3A_152 = arith.constant 640 : i32
    %mul3A_153 = arith.muli %arg1, %mul3A_152 : i32
    %add3A_154 = arith.constant 608 : i32
    %add3A_155 = arith.addi %mul3A_153, %add3A_154 : i32
    %dma_start3A_156 = arith.constant 0 : i32
    %dma_start3A_157 = tpu.memref_slice %arg21[%add3A_155, %dma_start3A_156] : memref<10240x128xf32, #tpu.memory_space<vmem_shared>> -> memref<32x128xf32, #tpu.memory_space<vmem_shared>>
    %dma_start3A_158 = arith.constant 0 : i32
    %dma_start3A_159 = tpu.memref_slice %arg21[%add3A_155, %dma_start3A_158] : memref<10240x128xf32, #tpu.memory_space<vmem_shared>> -> memref<32x128xf32, #tpu.memory_space<vmem_shared>>
    tpu.enqueue_dma source(%arg9 : memref<32x128xf32, #tpu.memory_space<vmem>>) target(%dma_start3A_159 : memref<32x128xf32, #tpu.memory_space<vmem_shared>>) target_semaphore(%arg34 : memref<!tpu.dma_semaphore, #tpu.memory_space<semaphore_mem>>)
    %mul3A_160 = arith.constant 640 : i32
    %mul3A_161 = arith.muli %arg1, %mul3A_160 : i32
    %add3A_162 = arith.constant 0 : i32
    %add3A_163 = arith.addi %mul3A_161, %add3A_162 : i32
    %dma_wait3A = arith.constant 0 : i32
    %dma_wait3A_164 = tpu.memref_slice %arg21[%add3A_163, %dma_wait3A] : memref<10240x128xf32, #tpu.memory_space<vmem_shared>> -> memref<32x128xf32, #tpu.memory_space<vmem_shared>>
    %dma_wait3A_165 = arith.constant 0 : i32
    %dma_wait3A_166 = tpu.memref_slice %arg21[%add3A_163, %dma_wait3A_165] : memref<10240x128xf32, #tpu.memory_space<vmem_shared>> -> memref<32x128xf32, #tpu.memory_space<vmem_shared>>
    tpu.wait_dma2 semaphore(%arg34 : memref<!tpu.dma_semaphore, #tpu.memory_space<semaphore_mem>>) src(%arg9 : memref<32x128xf32, #tpu.memory_space<vmem>>) dst(%dma_wait3A_166 : memref<32x128xf32, #tpu.memory_space<vmem_shared>>)
    %mul3A_167 = arith.constant 640 : i32
    %mul3A_168 = arith.muli %arg1, %mul3A_167 : i32
    %add3A_169 = arith.constant 32 : i32
    %add3A_170 = arith.addi %mul3A_168, %add3A_169 : i32
    %dma_wait3A_171 = arith.constant 0 : i32
    %dma_wait3A_172 = tpu.memref_slice %arg21[%add3A_170, %dma_wait3A_171] : memref<10240x128xf32, #tpu.memory_space<vmem_shared>> -> memref<32x128xf32, #tpu.memory_space<vmem_shared>>
    %dma_wait3A_173 = arith.constant 0 : i32
    %dma_wait3A_174 = tpu.memref_slice %arg21[%add3A_170, %dma_wait3A_173] : memref<10240x128xf32, #tpu.memory_space<vmem_shared>> -> memref<32x128xf32, #tpu.memory_space<vmem_shared>>
    tpu.wait_dma2 semaphore(%arg34 : memref<!tpu.dma_semaphore, #tpu.memory_space<semaphore_mem>>) src(%arg9 : memref<32x128xf32, #tpu.memory_space<vmem>>) dst(%dma_wait3A_174 : memref<32x128xf32, #tpu.memory_space<vmem_shared>>)
    %mul3A_175 = arith.constant 640 : i32
    %mul3A_176 = arith.muli %arg1, %mul3A_175 : i32
    %add3A_177 = arith.constant 64 : i32
    %add3A_178 = arith.addi %mul3A_176, %add3A_177 : i32
    %dma_wait3A_179 = arith.constant 0 : i32
    %dma_wait3A_180 = tpu.memref_slice %arg21[%add3A_178, %dma_wait3A_179] : memref<10240x128xf32, #tpu.memory_space<vmem_shared>> -> memref<32x128xf32, #tpu.memory_space<vmem_shared>>
    %dma_wait3A_181 = arith.constant 0 : i32
    %dma_wait3A_182 = tpu.memref_slice %arg21[%add3A_178, %dma_wait3A_181] : memref<10240x128xf32, #tpu.memory_space<vmem_shared>> -> memref<32x128xf32, #tpu.memory_space<vmem_shared>>
    tpu.wait_dma2 semaphore(%arg34 : memref<!tpu.dma_semaphore, #tpu.memory_space<semaphore_mem>>) src(%arg9 : memref<32x128xf32, #tpu.memory_space<vmem>>) dst(%dma_wait3A_182 : memref<32x128xf32, #tpu.memory_space<vmem_shared>>)
    %mul3A_183 = arith.constant 640 : i32
    %mul3A_184 = arith.muli %arg1, %mul3A_183 : i32
    %add3A_185 = arith.constant 96 : i32
    %add3A_186 = arith.addi %mul3A_184, %add3A_185 : i32
    %dma_wait3A_187 = arith.constant 0 : i32
    %dma_wait3A_188 = tpu.memref_slice %arg21[%add3A_186, %dma_wait3A_187] : memref<10240x128xf32, #tpu.memory_space<vmem_shared>> -> memref<32x128xf32, #tpu.memory_space<vmem_shared>>
    %dma_wait3A_189 = arith.constant 0 : i32
    %dma_wait3A_190 = tpu.memref_slice %arg21[%add3A_186, %dma_wait3A_189] : memref<10240x128xf32, #tpu.memory_space<vmem_shared>> -> memref<32x128xf32, #tpu.memory_space<vmem_shared>>
    tpu.wait_dma2 semaphore(%arg34 : memref<!tpu.dma_semaphore, #tpu.memory_space<semaphore_mem>>) src(%arg9 : memref<32x128xf32, #tpu.memory_space<vmem>>) dst(%dma_wait3A_190 : memref<32x128xf32, #tpu.memory_space<vmem_shared>>)
    %mul3A_191 = arith.constant 640 : i32
    %mul3A_192 = arith.muli %arg1, %mul3A_191 : i32
    %add3A_193 = arith.constant 128 : i32
    %add3A_194 = arith.addi %mul3A_192, %add3A_193 : i32
    %dma_wait3A_195 = arith.constant 0 : i32
    %dma_wait3A_196 = tpu.memref_slice %arg21[%add3A_194, %dma_wait3A_195] : memref<10240x128xf32, #tpu.memory_space<vmem_shared>> -> memref<32x128xf32, #tpu.memory_space<vmem_shared>>
    %dma_wait3A_197 = arith.constant 0 : i32
    %dma_wait3A_198 = tpu.memref_slice %arg21[%add3A_194, %dma_wait3A_197] : memref<10240x128xf32, #tpu.memory_space<vmem_shared>> -> memref<32x128xf32, #tpu.memory_space<vmem_shared>>
    tpu.wait_dma2 semaphore(%arg34 : memref<!tpu.dma_semaphore, #tpu.memory_space<semaphore_mem>>) src(%arg9 : memref<32x128xf32, #tpu.memory_space<vmem>>) dst(%dma_wait3A_198 : memref<32x128xf32, #tpu.memory_space<vmem_shared>>)
    %mul3A_199 = arith.constant 640 : i32
    %mul3A_200 = arith.muli %arg1, %mul3A_199 : i32
    %add3A_201 = arith.constant 160 : i32
    %add3A_202 = arith.addi %mul3A_200, %add3A_201 : i32
    %dma_wait3A_203 = arith.constant 0 : i32
    %dma_wait3A_204 = tpu.memref_slice %arg21[%add3A_202, %dma_wait3A_203] : memref<10240x128xf32, #tpu.memory_space<vmem_shared>> -> memref<32x128xf32, #tpu.memory_space<vmem_shared>>
    %dma_wait3A_205 = arith.constant 0 : i32
    %dma_wait3A_206 = tpu.memref_slice %arg21[%add3A_202, %dma_wait3A_205] : memref<10240x128xf32, #tpu.memory_space<vmem_shared>> -> memref<32x128xf32, #tpu.memory_space<vmem_shared>>
    tpu.wait_dma2 semaphore(%arg34 : memref<!tpu.dma_semaphore, #tpu.memory_space<semaphore_mem>>) src(%arg9 : memref<32x128xf32, #tpu.memory_space<vmem>>) dst(%dma_wait3A_206 : memref<32x128xf32, #tpu.memory_space<vmem_shared>>)
    %mul3A_207 = arith.constant 640 : i32
    %mul3A_208 = arith.muli %arg1, %mul3A_207 : i32
    %add3A_209 = arith.constant 192 : i32
    %add3A_210 = arith.addi %mul3A_208, %add3A_209 : i32
    %dma_wait3A_211 = arith.constant 0 : i32
    %dma_wait3A_212 = tpu.memref_slice %arg21[%add3A_210, %dma_wait3A_211] : memref<10240x128xf32, #tpu.memory_space<vmem_shared>> -> memref<32x128xf32, #tpu.memory_space<vmem_shared>>
    %dma_wait3A_213 = arith.constant 0 : i32
    %dma_wait3A_214 = tpu.memref_slice %arg21[%add3A_210, %dma_wait3A_213] : memref<10240x128xf32, #tpu.memory_space<vmem_shared>> -> memref<32x128xf32, #tpu.memory_space<vmem_shared>>
    tpu.wait_dma2 semaphore(%arg34 : memref<!tpu.dma_semaphore, #tpu.memory_space<semaphore_mem>>) src(%arg9 : memref<32x128xf32, #tpu.memory_space<vmem>>) dst(%dma_wait3A_214 : memref<32x128xf32, #tpu.memory_space<vmem_shared>>)
    %mul3A_215 = arith.constant 640 : i32
    %mul3A_216 = arith.muli %arg1, %mul3A_215 : i32
    %add3A_217 = arith.constant 224 : i32
    %add3A_218 = arith.addi %mul3A_216, %add3A_217 : i32
    %dma_wait3A_219 = arith.constant 0 : i32
    %dma_wait3A_220 = tpu.memref_slice %arg21[%add3A_218, %dma_wait3A_219] : memref<10240x128xf32, #tpu.memory_space<vmem_shared>> -> memref<32x128xf32, #tpu.memory_space<vmem_shared>>
    %dma_wait3A_221 = arith.constant 0 : i32
    %dma_wait3A_222 = tpu.memref_slice %arg21[%add3A_218, %dma_wait3A_221] : memref<10240x128xf32, #tpu.memory_space<vmem_shared>> -> memref<32x128xf32, #tpu.memory_space<vmem_shared>>
    tpu.wait_dma2 semaphore(%arg34 : memref<!tpu.dma_semaphore, #tpu.memory_space<semaphore_mem>>) src(%arg9 : memref<32x128xf32, #tpu.memory_space<vmem>>) dst(%dma_wait3A_222 : memref<32x128xf32, #tpu.memory_space<vmem_shared>>)
    %mul3A_223 = arith.constant 640 : i32
    %mul3A_224 = arith.muli %arg1, %mul3A_223 : i32
    %add3A_225 = arith.constant 256 : i32
    %add3A_226 = arith.addi %mul3A_224, %add3A_225 : i32
    %dma_wait3A_227 = arith.constant 0 : i32
    %dma_wait3A_228 = tpu.memref_slice %arg21[%add3A_226, %dma_wait3A_227] : memref<10240x128xf32, #tpu.memory_space<vmem_shared>> -> memref<32x128xf32, #tpu.memory_space<vmem_shared>>
    %dma_wait3A_229 = arith.constant 0 : i32
    %dma_wait3A_230 = tpu.memref_slice %arg21[%add3A_226, %dma_wait3A_229] : memref<10240x128xf32, #tpu.memory_space<vmem_shared>> -> memref<32x128xf32, #tpu.memory_space<vmem_shared>>
    tpu.wait_dma2 semaphore(%arg34 : memref<!tpu.dma_semaphore, #tpu.memory_space<semaphore_mem>>) src(%arg9 : memref<32x128xf32, #tpu.memory_space<vmem>>) dst(%dma_wait3A_230 : memref<32x128xf32, #tpu.memory_space<vmem_shared>>)
    %mul3A_231 = arith.constant 640 : i32
    %mul3A_232 = arith.muli %arg1, %mul3A_231 : i32
    %add3A_233 = arith.constant 288 : i32
    %add3A_234 = arith.addi %mul3A_232, %add3A_233 : i32
    %dma_wait3A_235 = arith.constant 0 : i32
    %dma_wait3A_236 = tpu.memref_slice %arg21[%add3A_234, %dma_wait3A_235] : memref<10240x128xf32, #tpu.memory_space<vmem_shared>> -> memref<32x128xf32, #tpu.memory_space<vmem_shared>>
    %dma_wait3A_237 = arith.constant 0 : i32
    %dma_wait3A_238 = tpu.memref_slice %arg21[%add3A_234, %dma_wait3A_237] : memref<10240x128xf32, #tpu.memory_space<vmem_shared>> -> memref<32x128xf32, #tpu.memory_space<vmem_shared>>
    tpu.wait_dma2 semaphore(%arg34 : memref<!tpu.dma_semaphore, #tpu.memory_space<semaphore_mem>>) src(%arg9 : memref<32x128xf32, #tpu.memory_space<vmem>>) dst(%dma_wait3A_238 : memref<32x128xf32, #tpu.memory_space<vmem_shared>>)
    %mul3A_239 = arith.constant 640 : i32
    %mul3A_240 = arith.muli %arg1, %mul3A_239 : i32
    %add3A_241 = arith.constant 320 : i32
    %add3A_242 = arith.addi %mul3A_240, %add3A_241 : i32
    %dma_wait3A_243 = arith.constant 0 : i32
    %dma_wait3A_244 = tpu.memref_slice %arg21[%add3A_242, %dma_wait3A_243] : memref<10240x128xf32, #tpu.memory_space<vmem_shared>> -> memref<32x128xf32, #tpu.memory_space<vmem_shared>>
    %dma_wait3A_245 = arith.constant 0 : i32
    %dma_wait3A_246 = tpu.memref_slice %arg21[%add3A_242, %dma_wait3A_245] : memref<10240x128xf32, #tpu.memory_space<vmem_shared>> -> memref<32x128xf32, #tpu.memory_space<vmem_shared>>
    tpu.wait_dma2 semaphore(%arg34 : memref<!tpu.dma_semaphore, #tpu.memory_space<semaphore_mem>>) src(%arg9 : memref<32x128xf32, #tpu.memory_space<vmem>>) dst(%dma_wait3A_246 : memref<32x128xf32, #tpu.memory_space<vmem_shared>>)
    %mul3A_247 = arith.constant 640 : i32
    %mul3A_248 = arith.muli %arg1, %mul3A_247 : i32
    %add3A_249 = arith.constant 352 : i32
    %add3A_250 = arith.addi %mul3A_248, %add3A_249 : i32
    %dma_wait3A_251 = arith.constant 0 : i32
    %dma_wait3A_252 = tpu.memref_slice %arg21[%add3A_250, %dma_wait3A_251] : memref<10240x128xf32, #tpu.memory_space<vmem_shared>> -> memref<32x128xf32, #tpu.memory_space<vmem_shared>>
    %dma_wait3A_253 = arith.constant 0 : i32
    %dma_wait3A_254 = tpu.memref_slice %arg21[%add3A_250, %dma_wait3A_253] : memref<10240x128xf32, #tpu.memory_space<vmem_shared>> -> memref<32x128xf32, #tpu.memory_space<vmem_shared>>
    tpu.wait_dma2 semaphore(%arg34 : memref<!tpu.dma_semaphore, #tpu.memory_space<semaphore_mem>>) src(%arg9 : memref<32x128xf32, #tpu.memory_space<vmem>>) dst(%dma_wait3A_254 : memref<32x128xf32, #tpu.memory_space<vmem_shared>>)
    %mul3A_255 = arith.constant 640 : i32
    %mul3A_256 = arith.muli %arg1, %mul3A_255 : i32
    %add3A_257 = arith.constant 384 : i32
    %add3A_258 = arith.addi %mul3A_256, %add3A_257 : i32
    %dma_wait3A_259 = arith.constant 0 : i32
    %dma_wait3A_260 = tpu.memref_slice %arg21[%add3A_258, %dma_wait3A_259] : memref<10240x128xf32, #tpu.memory_space<vmem_shared>> -> memref<32x128xf32, #tpu.memory_space<vmem_shared>>
    %dma_wait3A_261 = arith.constant 0 : i32
    %dma_wait3A_262 = tpu.memref_slice %arg21[%add3A_258, %dma_wait3A_261] : memref<10240x128xf32, #tpu.memory_space<vmem_shared>> -> memref<32x128xf32, #tpu.memory_space<vmem_shared>>
    tpu.wait_dma2 semaphore(%arg34 : memref<!tpu.dma_semaphore, #tpu.memory_space<semaphore_mem>>) src(%arg9 : memref<32x128xf32, #tpu.memory_space<vmem>>) dst(%dma_wait3A_262 : memref<32x128xf32, #tpu.memory_space<vmem_shared>>)
    %mul3A_263 = arith.constant 640 : i32
    %mul3A_264 = arith.muli %arg1, %mul3A_263 : i32
    %add3A_265 = arith.constant 416 : i32
    %add3A_266 = arith.addi %mul3A_264, %add3A_265 : i32
    %dma_wait3A_267 = arith.constant 0 : i32
    %dma_wait3A_268 = tpu.memref_slice %arg21[%add3A_266, %dma_wait3A_267] : memref<10240x128xf32, #tpu.memory_space<vmem_shared>> -> memref<32x128xf32, #tpu.memory_space<vmem_shared>>
    %dma_wait3A_269 = arith.constant 0 : i32
    %dma_wait3A_270 = tpu.memref_slice %arg21[%add3A_266, %dma_wait3A_269] : memref<10240x128xf32, #tpu.memory_space<vmem_shared>> -> memref<32x128xf32, #tpu.memory_space<vmem_shared>>
    tpu.wait_dma2 semaphore(%arg34 : memref<!tpu.dma_semaphore, #tpu.memory_space<semaphore_mem>>) src(%arg9 : memref<32x128xf32, #tpu.memory_space<vmem>>) dst(%dma_wait3A_270 : memref<32x128xf32, #tpu.memory_space<vmem_shared>>)
    %mul3A_271 = arith.constant 640 : i32
    %mul3A_272 = arith.muli %arg1, %mul3A_271 : i32
    %add3A_273 = arith.constant 448 : i32
    %add3A_274 = arith.addi %mul3A_272, %add3A_273 : i32
    %dma_wait3A_275 = arith.constant 0 : i32
    %dma_wait3A_276 = tpu.memref_slice %arg21[%add3A_274, %dma_wait3A_275] : memref<10240x128xf32, #tpu.memory_space<vmem_shared>> -> memref<32x128xf32, #tpu.memory_space<vmem_shared>>
    %dma_wait3A_277 = arith.constant 0 : i32
    %dma_wait3A_278 = tpu.memref_slice %arg21[%add3A_274, %dma_wait3A_277] : memref<10240x128xf32, #tpu.memory_space<vmem_shared>> -> memref<32x128xf32, #tpu.memory_space<vmem_shared>>
    tpu.wait_dma2 semaphore(%arg34 : memref<!tpu.dma_semaphore, #tpu.memory_space<semaphore_mem>>) src(%arg9 : memref<32x128xf32, #tpu.memory_space<vmem>>) dst(%dma_wait3A_278 : memref<32x128xf32, #tpu.memory_space<vmem_shared>>)
    %mul3A_279 = arith.constant 640 : i32
    %mul3A_280 = arith.muli %arg1, %mul3A_279 : i32
    %add3A_281 = arith.constant 480 : i32
    %add3A_282 = arith.addi %mul3A_280, %add3A_281 : i32
    %dma_wait3A_283 = arith.constant 0 : i32
    %dma_wait3A_284 = tpu.memref_slice %arg21[%add3A_282, %dma_wait3A_283] : memref<10240x128xf32, #tpu.memory_space<vmem_shared>> -> memref<32x128xf32, #tpu.memory_space<vmem_shared>>
    %dma_wait3A_285 = arith.constant 0 : i32
    %dma_wait3A_286 = tpu.memref_slice %arg21[%add3A_282, %dma_wait3A_285] : memref<10240x128xf32, #tpu.memory_space<vmem_shared>> -> memref<32x128xf32, #tpu.memory_space<vmem_shared>>
    tpu.wait_dma2 semaphore(%arg34 : memref<!tpu.dma_semaphore, #tpu.memory_space<semaphore_mem>>) src(%arg9 : memref<32x128xf32, #tpu.memory_space<vmem>>) dst(%dma_wait3A_286 : memref<32x128xf32, #tpu.memory_space<vmem_shared>>)
    %mul3A_287 = arith.constant 640 : i32
    %mul3A_288 = arith.muli %arg1, %mul3A_287 : i32
    %add3A_289 = arith.constant 512 : i32
    %add3A_290 = arith.addi %mul3A_288, %add3A_289 : i32
    %dma_wait3A_291 = arith.constant 0 : i32
    %dma_wait3A_292 = tpu.memref_slice %arg21[%add3A_290, %dma_wait3A_291] : memref<10240x128xf32, #tpu.memory_space<vmem_shared>> -> memref<32x128xf32, #tpu.memory_space<vmem_shared>>
    %dma_wait3A_293 = arith.constant 0 : i32
    %dma_wait3A_294 = tpu.memref_slice %arg21[%add3A_290, %dma_wait3A_293] : memref<10240x128xf32, #tpu.memory_space<vmem_shared>> -> memref<32x128xf32, #tpu.memory_space<vmem_shared>>
    tpu.wait_dma2 semaphore(%arg34 : memref<!tpu.dma_semaphore, #tpu.memory_space<semaphore_mem>>) src(%arg9 : memref<32x128xf32, #tpu.memory_space<vmem>>) dst(%dma_wait3A_294 : memref<32x128xf32, #tpu.memory_space<vmem_shared>>)
    %mul3A_295 = arith.constant 640 : i32
    %mul3A_296 = arith.muli %arg1, %mul3A_295 : i32
    %add3A_297 = arith.constant 544 : i32
    %add3A_298 = arith.addi %mul3A_296, %add3A_297 : i32
    %dma_wait3A_299 = arith.constant 0 : i32
    %dma_wait3A_300 = tpu.memref_slice %arg21[%add3A_298, %dma_wait3A_299] : memref<10240x128xf32, #tpu.memory_space<vmem_shared>> -> memref<32x128xf32, #tpu.memory_space<vmem_shared>>
    %dma_wait3A_301 = arith.constant 0 : i32
    %dma_wait3A_302 = tpu.memref_slice %arg21[%add3A_298, %dma_wait3A_301] : memref<10240x128xf32, #tpu.memory_space<vmem_shared>> -> memref<32x128xf32, #tpu.memory_space<vmem_shared>>
    tpu.wait_dma2 semaphore(%arg34 : memref<!tpu.dma_semaphore, #tpu.memory_space<semaphore_mem>>) src(%arg9 : memref<32x128xf32, #tpu.memory_space<vmem>>) dst(%dma_wait3A_302 : memref<32x128xf32, #tpu.memory_space<vmem_shared>>)
    %mul3A_303 = arith.constant 640 : i32
    %mul3A_304 = arith.muli %arg1, %mul3A_303 : i32
    %add3A_305 = arith.constant 576 : i32
    %add3A_306 = arith.addi %mul3A_304, %add3A_305 : i32
    %dma_wait3A_307 = arith.constant 0 : i32
    %dma_wait3A_308 = tpu.memref_slice %arg21[%add3A_306, %dma_wait3A_307] : memref<10240x128xf32, #tpu.memory_space<vmem_shared>> -> memref<32x128xf32, #tpu.memory_space<vmem_shared>>
    %dma_wait3A_309 = arith.constant 0 : i32
    %dma_wait3A_310 = tpu.memref_slice %arg21[%add3A_306, %dma_wait3A_309] : memref<10240x128xf32, #tpu.memory_space<vmem_shared>> -> memref<32x128xf32, #tpu.memory_space<vmem_shared>>
    tpu.wait_dma2 semaphore(%arg34 : memref<!tpu.dma_semaphore, #tpu.memory_space<semaphore_mem>>) src(%arg9 : memref<32x128xf32, #tpu.memory_space<vmem>>) dst(%dma_wait3A_310 : memref<32x128xf32, #tpu.memory_space<vmem_shared>>)
    %mul3A_311 = arith.constant 640 : i32
    %mul3A_312 = arith.muli %arg1, %mul3A_311 : i32
    %add3A_313 = arith.constant 608 : i32
    %add3A_314 = arith.addi %mul3A_312, %add3A_313 : i32
    %dma_wait3A_315 = arith.constant 0 : i32
    %dma_wait3A_316 = tpu.memref_slice %arg21[%add3A_314, %dma_wait3A_315] : memref<10240x128xf32, #tpu.memory_space<vmem_shared>> -> memref<32x128xf32, #tpu.memory_space<vmem_shared>>
    %dma_wait3A_317 = arith.constant 0 : i32
    %dma_wait3A_318 = tpu.memref_slice %arg21[%add3A_314, %dma_wait3A_317] : memref<10240x128xf32, #tpu.memory_space<vmem_shared>> -> memref<32x128xf32, #tpu.memory_space<vmem_shared>>
    tpu.wait_dma2 semaphore(%arg34 : memref<!tpu.dma_semaphore, #tpu.memory_space<semaphore_mem>>) src(%arg9 : memref<32x128xf32, #tpu.memory_space<vmem>>) dst(%dma_wait3A_318 : memref<32x128xf32, #tpu.memory_space<vmem_shared>>)
    %barrier3A = arith.constant 0 : index
    tpu.barrier barrier_id(%barrier3A)
    %multiple_of3A = arith.constant 0 : i32
    %multiple_of3A_319 = tpu.assume_multiple %multiple_of3A, 8 : i32
    %dma_start3A_320 = tpu.memref_slice %arg7[%multiple_of3A_319] : memref<10000xi32, #tpu.memory_space<vmem>> -> memref<32xi32, #tpu.memory_space<vmem>>
    %dma_start3A_321 = arith.constant 0 : i32
    %dma_start3A_322 = arith.constant 0 : i32
    %dma_start3A_323 = tpu.memref_slice %arg2[%dma_start3A_321, %dma_start3A_322] : memref<10000x128xf32, #tpu.memory_space<hbm>> -> memref<10000x128xf32, #tpu.memory_space<hbm>>
    tpu.enqueue_indirect_dma source(%dma_start3A_323 : memref<10000x128xf32, #tpu.memory_space<hbm>>) target(%arg9 : memref<32x128xf32, #tpu.memory_space<vmem>>) offsets(%dma_start3A_320 : memref<32xi32, #tpu.memory_space<vmem>>) semaphore(%arg22 : memref<!tpu.dma_semaphore, #tpu.memory_space<semaphore_mem>>)
    %multiple_of3A_324 = arith.constant 32 : i32
    %multiple_of3A_325 = tpu.assume_multiple %multiple_of3A_324, 8 : i32
    %dma_start3A_326 = tpu.memref_slice %arg7[%multiple_of3A_325] : memref<10000xi32, #tpu.memory_space<vmem>> -> memref<32xi32, #tpu.memory_space<vmem>>
    %dma_start3A_327 = arith.constant 0 : i32
    %dma_start3A_328 = arith.constant 0 : i32
    %dma_start3A_329 = tpu.memref_slice %arg2[%dma_start3A_327, %dma_start3A_328] : memref<10000x128xf32, #tpu.memory_space<hbm>> -> memref<10000x128xf32, #tpu.memory_space<hbm>>
    tpu.enqueue_indirect_dma source(%dma_start3A_329 : memref<10000x128xf32, #tpu.memory_space<hbm>>) target(%arg10 : memref<32x128xf32, #tpu.memory_space<vmem>>) offsets(%dma_start3A_326 : memref<32xi32, #tpu.memory_space<vmem>>) semaphore(%arg23 : memref<!tpu.dma_semaphore, #tpu.memory_space<semaphore_mem>>)
    %multiple_of3A_330 = arith.constant 64 : i32
    %multiple_of3A_331 = tpu.assume_multiple %multiple_of3A_330, 8 : i32
    %dma_start3A_332 = tpu.memref_slice %arg7[%multiple_of3A_331] : memref<10000xi32, #tpu.memory_space<vmem>> -> memref<32xi32, #tpu.memory_space<vmem>>
    %dma_start3A_333 = arith.constant 0 : i32
    %dma_start3A_334 = arith.constant 0 : i32
    %dma_start3A_335 = tpu.memref_slice %arg2[%dma_start3A_333, %dma_start3A_334] : memref<10000x128xf32, #tpu.memory_space<hbm>> -> memref<10000x128xf32, #tpu.memory_space<hbm>>
    tpu.enqueue_indirect_dma source(%dma_start3A_335 : memref<10000x128xf32, #tpu.memory_space<hbm>>) target(%arg11 : memref<32x128xf32, #tpu.memory_space<vmem>>) offsets(%dma_start3A_332 : memref<32xi32, #tpu.memory_space<vmem>>) semaphore(%arg24 : memref<!tpu.dma_semaphore, #tpu.memory_space<semaphore_mem>>)
    %multiple_of3A_336 = arith.constant 96 : i32
    %multiple_of3A_337 = tpu.assume_multiple %multiple_of3A_336, 8 : i32
    %dma_start3A_338 = tpu.memref_slice %arg7[%multiple_of3A_337] : memref<10000xi32, #tpu.memory_space<vmem>> -> memref<32xi32, #tpu.memory_space<vmem>>
    %dma_start3A_339 = arith.constant 0 : i32
    %dma_start3A_340 = arith.constant 0 : i32
    %dma_start3A_341 = tpu.memref_slice %arg2[%dma_start3A_339, %dma_start3A_340] : memref<10000x128xf32, #tpu.memory_space<hbm>> -> memref<10000x128xf32, #tpu.memory_space<hbm>>
    tpu.enqueue_indirect_dma source(%dma_start3A_341 : memref<10000x128xf32, #tpu.memory_space<hbm>>) target(%arg12 : memref<32x128xf32, #tpu.memory_space<vmem>>) offsets(%dma_start3A_338 : memref<32xi32, #tpu.memory_space<vmem>>) semaphore(%arg25 : memref<!tpu.dma_semaphore, #tpu.memory_space<semaphore_mem>>)
    %multiple_of3A_342 = arith.constant 128 : i32
    %multiple_of3A_343 = tpu.assume_multiple %multiple_of3A_342, 8 : i32
    %dma_start3A_344 = tpu.memref_slice %arg7[%multiple_of3A_343] : memref<10000xi32, #tpu.memory_space<vmem>> -> memref<32xi32, #tpu.memory_space<vmem>>
    %dma_start3A_345 = arith.constant 0 : i32
    %dma_start3A_346 = arith.constant 0 : i32
    %dma_start3A_347 = tpu.memref_slice %arg2[%dma_start3A_345, %dma_start3A_346] : memref<10000x128xf32, #tpu.memory_space<hbm>> -> memref<10000x128xf32, #tpu.memory_space<hbm>>
    tpu.enqueue_indirect_dma source(%dma_start3A_347 : memref<10000x128xf32, #tpu.memory_space<hbm>>) target(%arg13 : memref<32x128xf32, #tpu.memory_space<vmem>>) offsets(%dma_start3A_344 : memref<32xi32, #tpu.memory_space<vmem>>) semaphore(%arg26 : memref<!tpu.dma_semaphore, #tpu.memory_space<semaphore_mem>>)
    %multiple_of3A_348 = arith.constant 160 : i32
    %multiple_of3A_349 = tpu.assume_multiple %multiple_of3A_348, 8 : i32
    %dma_start3A_350 = tpu.memref_slice %arg7[%multiple_of3A_349] : memref<10000xi32, #tpu.memory_space<vmem>> -> memref<32xi32, #tpu.memory_space<vmem>>
    %dma_start3A_351 = arith.constant 0 : i32
    %dma_start3A_352 = arith.constant 0 : i32
    %dma_start3A_353 = tpu.memref_slice %arg2[%dma_start3A_351, %dma_start3A_352] : memref<10000x128xf32, #tpu.memory_space<hbm>> -> memref<10000x128xf32, #tpu.memory_space<hbm>>
    tpu.enqueue_indirect_dma source(%dma_start3A_353 : memref<10000x128xf32, #tpu.memory_space<hbm>>) target(%arg14 : memref<32x128xf32, #tpu.memory_space<vmem>>) offsets(%dma_start3A_350 : memref<32xi32, #tpu.memory_space<vmem>>) semaphore(%arg27 : memref<!tpu.dma_semaphore, #tpu.memory_space<semaphore_mem>>)
    %scan3A = arith.constant 0 : i32
    %scan3A_354 = arith.constant 0 : i32
    %scan3A_355 = arith.constant 52 : i32
    %scan3A_356 = arith.addi %scan3A_354, %scan3A_355 : i32
    %scan3A_357 = arith.constant 1 : i32
    scf.for %scan3A_386 = %scan3A_354 to %scan3A_356 step %scan3A_357  : i32 {
      %mul3A_387 = arith.constant 6 : i32
      %mul3A_388 = arith.muli %mul3A_387, %scan3A_386 : i32
      %add3A_389 = arith.constant 0 : i32
      %add3A_390 = arith.addi %mul3A_388, %add3A_389 : i32
      %mul3A_391 = arith.constant 32 : i32
      %mul3A_392 = arith.muli %add3A_390, %mul3A_391 : i32
      %multiple_of3A_393 = tpu.assume_multiple %mul3A_392, 8 : i32
      %dma_wait3A_394 = tpu.memref_slice %arg7[%multiple_of3A_393] : memref<10000xi32, #tpu.memory_space<vmem>> -> memref<32xi32, #tpu.memory_space<vmem>>
      %dma_wait3A_395 = arith.constant 0 : i32
      %dma_wait3A_396 = arith.constant 0 : i32
      %dma_wait3A_397 = tpu.memref_slice %arg2[%dma_wait3A_395, %dma_wait3A_396] : memref<10000x128xf32, #tpu.memory_space<hbm>> -> memref<10000x128xf32, #tpu.memory_space<hbm>>
      tpu.wait_indirect_dma semaphore(%arg22 : memref<!tpu.dma_semaphore, #tpu.memory_space<semaphore_mem>>) src(%dma_wait3A_397 : memref<10000x128xf32, #tpu.memory_space<hbm>>) dst(%arg9 : memref<32x128xf32, #tpu.memory_space<vmem>>)
      %mul3A_398 = arith.constant 32 : i32
      %mul3A_399 = arith.muli %add3A_390, %mul3A_398 : i32
      %multiple_of3A_400 = tpu.assume_multiple %mul3A_399, 8 : i32
      %add3A_401 = arith.constant 0 : i32
      %add3A_402 = arith.addi %multiple_of3A_400, %add3A_401 : i32
      %get3A_403 = arith.index_cast %add3A_402 : i32 to index
      %get3A_404 = tpu.vector_load %arg8[%get3A_403] {strides = array<i32>} : memref<10000xi32, #tpu.memory_space<vmem>>, vector<16xi32>,
      %get3A_405 = vector.shape_cast %get3A_404 : vector<16xi32> to vector<16xi32>
      %swap3A_406 = arith.constant 0 : index
      %swap3A_407 = tpu.vector_load %arg15[%swap3A_406] {strides = array<i32>} : memref<32xi32, #tpu.memory_space<vmem>>, vector<16xi32>,
      %swap3A_408 = vector.shape_cast %swap3A_407 : vector<16xi32> to vector<16xi32>
      %swap3A_409 = vector.shape_cast %get3A_405 : vector<16xi32> to vector<16xi32>
      tpu.vector_store %arg15[%swap3A_406], %swap3A_409 {strides = array<i32>} : memref<32xi32, #tpu.memory_space<vmem>>, vector<16xi32>,
      %add3A_410 = arith.constant 16 : i32
      %add3A_411 = arith.addi %multiple_of3A_400, %add3A_410 : i32
      %get3A_412 = arith.index_cast %add3A_411 : i32 to index
      %get3A_413 = tpu.vector_load %arg8[%get3A_412] {strides = array<i32>} : memref<10000xi32, #tpu.memory_space<vmem>>, vector<16xi32>,
      %get3A_414 = vector.shape_cast %get3A_413 : vector<16xi32> to vector<16xi32>
      %swap3A_415 = arith.constant 16 : index
      %swap3A_416 = tpu.vector_load %arg15[%swap3A_415] {strides = array<i32>} : memref<32xi32, #tpu.memory_space<vmem>>, vector<16xi32>,
      %swap3A_417 = vector.shape_cast %swap3A_416 : vector<16xi32> to vector<16xi32>
      %swap3A_418 = vector.shape_cast %get3A_414 : vector<16xi32> to vector<16xi32>
      tpu.vector_store %arg15[%swap3A_415], %swap3A_418 {strides = array<i32>} : memref<32xi32, #tpu.memory_space<vmem>>, vector<16xi32>,
      %dma_start3A_419 = arith.constant 0 : i32
      %dma_start3A_420 = arith.constant 0 : i32
      %dma_start3A_421 = tpu.memref_slice %arg21[%dma_start3A_419, %dma_start3A_420] : memref<10240x128xf32, #tpu.memory_space<vmem_shared>> -> memref<10240x128xf32, #tpu.memory_space<vmem_shared>>
      tpu.enqueue_indirect_dma source(%arg9 : memref<32x128xf32, #tpu.memory_space<vmem>>) target(%dma_start3A_421 : memref<10240x128xf32, #tpu.memory_space<vmem_shared>>) offsets(%arg15 : memref<32xi32, #tpu.memory_space<vmem>>) semaphore(%arg28 : memref<!tpu.dma_semaphore, #tpu.memory_space<semaphore_mem>>) {add = true}
      %add3A_422 = arith.constant 1 : i32
      %add3A_423 = arith.addi %mul3A_388, %add3A_422 : i32
      %mul3A_424 = arith.constant 32 : i32
      %mul3A_425 = arith.muli %add3A_423, %mul3A_424 : i32
      %multiple_of3A_426 = tpu.assume_multiple %mul3A_425, 8 : i32
      %dma_wait3A_427 = tpu.memref_slice %arg7[%multiple_of3A_426] : memref<10000xi32, #tpu.memory_space<vmem>> -> memref<32xi32, #tpu.memory_space<vmem>>
      %dma_wait3A_428 = arith.constant 0 : i32
      %dma_wait3A_429 = arith.constant 0 : i32
      %dma_wait3A_430 = tpu.memref_slice %arg2[%dma_wait3A_428, %dma_wait3A_429] : memref<10000x128xf32, #tpu.memory_space<hbm>> -> memref<10000x128xf32, #tpu.memory_space<hbm>>
      tpu.wait_indirect_dma semaphore(%arg23 : memref<!tpu.dma_semaphore, #tpu.memory_space<semaphore_mem>>) src(%dma_wait3A_430 : memref<10000x128xf32, #tpu.memory_space<hbm>>) dst(%arg10 : memref<32x128xf32, #tpu.memory_space<vmem>>)
      %mul3A_431 = arith.constant 32 : i32
      %mul3A_432 = arith.muli %add3A_423, %mul3A_431 : i32
      %multiple_of3A_433 = tpu.assume_multiple %mul3A_432, 8 : i32
      %add3A_434 = arith.constant 0 : i32
      %add3A_435 = arith.addi %multiple_of3A_433, %add3A_434 : i32
      %get3A_436 = arith.index_cast %add3A_435 : i32 to index
      %get3A_437 = tpu.vector_load %arg8[%get3A_436] {strides = array<i32>} : memref<10000xi32, #tpu.memory_space<vmem>>, vector<16xi32>,
      %get3A_438 = vector.shape_cast %get3A_437 : vector<16xi32> to vector<16xi32>
      %swap3A_439 = arith.constant 0 : index
      %swap3A_440 = tpu.vector_load %arg16[%swap3A_439] {strides = array<i32>} : memref<32xi32, #tpu.memory_space<vmem>>, vector<16xi32>,
      %swap3A_441 = vector.shape_cast %swap3A_440 : vector<16xi32> to vector<16xi32>
      %swap3A_442 = vector.shape_cast %get3A_438 : vector<16xi32> to vector<16xi32>
      tpu.vector_store %arg16[%swap3A_439], %swap3A_442 {strides = array<i32>} : memref<32xi32, #tpu.memory_space<vmem>>, vector<16xi32>,
      %add3A_443 = arith.constant 16 : i32
      %add3A_444 = arith.addi %multiple_of3A_433, %add3A_443 : i32
      %get3A_445 = arith.index_cast %add3A_444 : i32 to index
      %get3A_446 = tpu.vector_load %arg8[%get3A_445] {strides = array<i32>} : memref<10000xi32, #tpu.memory_space<vmem>>, vector<16xi32>,
      %get3A_447 = vector.shape_cast %get3A_446 : vector<16xi32> to vector<16xi32>
      %swap3A_448 = arith.constant 16 : index
      %swap3A_449 = tpu.vector_load %arg16[%swap3A_448] {strides = array<i32>} : memref<32xi32, #tpu.memory_space<vmem>>, vector<16xi32>,
      %swap3A_450 = vector.shape_cast %swap3A_449 : vector<16xi32> to vector<16xi32>
      %swap3A_451 = vector.shape_cast %get3A_447 : vector<16xi32> to vector<16xi32>
      tpu.vector_store %arg16[%swap3A_448], %swap3A_451 {strides = array<i32>} : memref<32xi32, #tpu.memory_space<vmem>>, vector<16xi32>,
      %dma_start3A_452 = arith.constant 0 : i32
      %dma_start3A_453 = arith.constant 0 : i32
      %dma_start3A_454 = tpu.memref_slice %arg21[%dma_start3A_452, %dma_start3A_453] : memref<10240x128xf32, #tpu.memory_space<vmem_shared>> -> memref<10240x128xf32, #tpu.memory_space<vmem_shared>>
      tpu.enqueue_indirect_dma source(%arg10 : memref<32x128xf32, #tpu.memory_space<vmem>>) target(%dma_start3A_454 : memref<10240x128xf32, #tpu.memory_space<vmem_shared>>) offsets(%arg16 : memref<32xi32, #tpu.memory_space<vmem>>) semaphore(%arg29 : memref<!tpu.dma_semaphore, #tpu.memory_space<semaphore_mem>>) {add = true}
      %add3A_455 = arith.constant 2 : i32
      %add3A_456 = arith.addi %mul3A_388, %add3A_455 : i32
      %mul3A_457 = arith.constant 32 : i32
      %mul3A_458 = arith.muli %add3A_456, %mul3A_457 : i32
      %multiple_of3A_459 = tpu.assume_multiple %mul3A_458, 8 : i32
      %dma_wait3A_460 = tpu.memref_slice %arg7[%multiple_of3A_459] : memref<10000xi32, #tpu.memory_space<vmem>> -> memref<32xi32, #tpu.memory_space<vmem>>
      %dma_wait3A_461 = arith.constant 0 : i32
      %dma_wait3A_462 = arith.constant 0 : i32
      %dma_wait3A_463 = tpu.memref_slice %arg2[%dma_wait3A_461, %dma_wait3A_462] : memref<10000x128xf32, #tpu.memory_space<hbm>> -> memref<10000x128xf32, #tpu.memory_space<hbm>>
      tpu.wait_indirect_dma semaphore(%arg24 : memref<!tpu.dma_semaphore, #tpu.memory_space<semaphore_mem>>) src(%dma_wait3A_463 : memref<10000x128xf32, #tpu.memory_space<hbm>>) dst(%arg11 : memref<32x128xf32, #tpu.memory_space<vmem>>)
      %mul3A_464 = arith.constant 32 : i32
      %mul3A_465 = arith.muli %add3A_456, %mul3A_464 : i32
      %multiple_of3A_466 = tpu.assume_multiple %mul3A_465, 8 : i32
      %add3A_467 = arith.constant 0 : i32
      %add3A_468 = arith.addi %multiple_of3A_466, %add3A_467 : i32
      %get3A_469 = arith.index_cast %add3A_468 : i32 to index
      %get3A_470 = tpu.vector_load %arg8[%get3A_469] {strides = array<i32>} : memref<10000xi32, #tpu.memory_space<vmem>>, vector<16xi32>,
      %get3A_471 = vector.shape_cast %get3A_470 : vector<16xi32> to vector<16xi32>
      %swap3A_472 = arith.constant 0 : index
      %swap3A_473 = tpu.vector_load %arg17[%swap3A_472] {strides = array<i32>} : memref<32xi32, #tpu.memory_space<vmem>>, vector<16xi32>,
      %swap3A_474 = vector.shape_cast %swap3A_473 : vector<16xi32> to vector<16xi32>
      %swap3A_475 = vector.shape_cast %get3A_471 : vector<16xi32> to vector<16xi32>
      tpu.vector_store %arg17[%swap3A_472], %swap3A_475 {strides = array<i32>} : memref<32xi32, #tpu.memory_space<vmem>>, vector<16xi32>,
      %add3A_476 = arith.constant 16 : i32
      %add3A_477 = arith.addi %multiple_of3A_466, %add3A_476 : i32
      %get3A_478 = arith.index_cast %add3A_477 : i32 to index
      %get3A_479 = tpu.vector_load %arg8[%get3A_478] {strides = array<i32>} : memref<10000xi32, #tpu.memory_space<vmem>>, vector<16xi32>,
      %get3A_480 = vector.shape_cast %get3A_479 : vector<16xi32> to vector<16xi32>
      %swap3A_481 = arith.constant 16 : index
      %swap3A_482 = tpu.vector_load %arg17[%swap3A_481] {strides = array<i32>} : memref<32xi32, #tpu.memory_space<vmem>>, vector<16xi32>,
      %swap3A_483 = vector.shape_cast %swap3A_482 : vector<16xi32> to vector<16xi32>
      %swap3A_484 = vector.shape_cast %get3A_480 : vector<16xi32> to vector<16xi32>
      tpu.vector_store %arg17[%swap3A_481], %swap3A_484 {strides = array<i32>} : memref<32xi32, #tpu.memory_space<vmem>>, vector<16xi32>,
      %dma_start3A_485 = arith.constant 0 : i32
      %dma_start3A_486 = arith.constant 0 : i32
      %dma_start3A_487 = tpu.memref_slice %arg21[%dma_start3A_485, %dma_start3A_486] : memref<10240x128xf32, #tpu.memory_space<vmem_shared>> -> memref<10240x128xf32, #tpu.memory_space<vmem_shared>>
      tpu.enqueue_indirect_dma source(%arg11 : memref<32x128xf32, #tpu.memory_space<vmem>>) target(%dma_start3A_487 : memref<10240x128xf32, #tpu.memory_space<vmem_shared>>) offsets(%arg17 : memref<32xi32, #tpu.memory_space<vmem>>) semaphore(%arg30 : memref<!tpu.dma_semaphore, #tpu.memory_space<semaphore_mem>>) {add = true}
      %add3A_488 = arith.constant 3 : i32
      %add3A_489 = arith.addi %mul3A_388, %add3A_488 : i32
      %mul3A_490 = arith.constant 32 : i32
      %mul3A_491 = arith.muli %add3A_489, %mul3A_490 : i32
      %multiple_of3A_492 = tpu.assume_multiple %mul3A_491, 8 : i32
      %dma_wait3A_493 = tpu.memref_slice %arg7[%multiple_of3A_492] : memref<10000xi32, #tpu.memory_space<vmem>> -> memref<32xi32, #tpu.memory_space<vmem>>
      %dma_wait3A_494 = arith.constant 0 : i32
      %dma_wait3A_495 = arith.constant 0 : i32
      %dma_wait3A_496 = tpu.memref_slice %arg2[%dma_wait3A_494, %dma_wait3A_495] : memref<10000x128xf32, #tpu.memory_space<hbm>> -> memref<10000x128xf32, #tpu.memory_space<hbm>>
      tpu.wait_indirect_dma semaphore(%arg25 : memref<!tpu.dma_semaphore, #tpu.memory_space<semaphore_mem>>) src(%dma_wait3A_496 : memref<10000x128xf32, #tpu.memory_space<hbm>>) dst(%arg12 : memref<32x128xf32, #tpu.memory_space<vmem>>)
      %mul3A_497 = arith.constant 32 : i32
      %mul3A_498 = arith.muli %add3A_489, %mul3A_497 : i32
      %multiple_of3A_499 = tpu.assume_multiple %mul3A_498, 8 : i32
      %add3A_500 = arith.constant 0 : i32
      %add3A_501 = arith.addi %multiple_of3A_499, %add3A_500 : i32
      %get3A_502 = arith.index_cast %add3A_501 : i32 to index
      %get3A_503 = tpu.vector_load %arg8[%get3A_502] {strides = array<i32>} : memref<10000xi32, #tpu.memory_space<vmem>>, vector<16xi32>,
      %get3A_504 = vector.shape_cast %get3A_503 : vector<16xi32> to vector<16xi32>
      %swap3A_505 = arith.constant 0 : index
      %swap3A_506 = tpu.vector_load %arg18[%swap3A_505] {strides = array<i32>} : memref<32xi32, #tpu.memory_space<vmem>>, vector<16xi32>,
      %swap3A_507 = vector.shape_cast %swap3A_506 : vector<16xi32> to vector<16xi32>
      %swap3A_508 = vector.shape_cast %get3A_504 : vector<16xi32> to vector<16xi32>
      tpu.vector_store %arg18[%swap3A_505], %swap3A_508 {strides = array<i32>} : memref<32xi32, #tpu.memory_space<vmem>>, vector<16xi32>,
      %add3A_509 = arith.constant 16 : i32
      %add3A_510 = arith.addi %multiple_of3A_499, %add3A_509 : i32
      %get3A_511 = arith.index_cast %add3A_510 : i32 to index
      %get3A_512 = tpu.vector_load %arg8[%get3A_511] {strides = array<i32>} : memref<10000xi32, #tpu.memory_space<vmem>>, vector<16xi32>,
      %get3A_513 = vector.shape_cast %get3A_512 : vector<16xi32> to vector<16xi32>
      %swap3A_514 = arith.constant 16 : index
      %swap3A_515 = tpu.vector_load %arg18[%swap3A_514] {strides = array<i32>} : memref<32xi32, #tpu.memory_space<vmem>>, vector<16xi32>,
      %swap3A_516 = vector.shape_cast %swap3A_515 : vector<16xi32> to vector<16xi32>
      %swap3A_517 = vector.shape_cast %get3A_513 : vector<16xi32> to vector<16xi32>
      tpu.vector_store %arg18[%swap3A_514], %swap3A_517 {strides = array<i32>} : memref<32xi32, #tpu.memory_space<vmem>>, vector<16xi32>,
      %dma_start3A_518 = arith.constant 0 : i32
      %dma_start3A_519 = arith.constant 0 : i32
      %dma_start3A_520 = tpu.memref_slice %arg21[%dma_start3A_518, %dma_start3A_519] : memref<10240x128xf32, #tpu.memory_space<vmem_shared>> -> memref<10240x128xf32, #tpu.memory_space<vmem_shared>>
      tpu.enqueue_indirect_dma source(%arg12 : memref<32x128xf32, #tpu.memory_space<vmem>>) target(%dma_start3A_520 : memref<10240x128xf32, #tpu.memory_space<vmem_shared>>) offsets(%arg18 : memref<32xi32, #tpu.memory_space<vmem>>) semaphore(%arg31 : memref<!tpu.dma_semaphore, #tpu.memory_space<semaphore_mem>>) {add = true}
      %add3A_521 = arith.constant 4 : i32
      %add3A_522 = arith.addi %mul3A_388, %add3A_521 : i32
      %mul3A_523 = arith.constant 32 : i32
      %mul3A_524 = arith.muli %add3A_522, %mul3A_523 : i32
      %multiple_of3A_525 = tpu.assume_multiple %mul3A_524, 8 : i32
      %dma_wait3A_526 = tpu.memref_slice %arg7[%multiple_of3A_525] : memref<10000xi32, #tpu.memory_space<vmem>> -> memref<32xi32, #tpu.memory_space<vmem>>
      %dma_wait3A_527 = arith.constant 0 : i32
      %dma_wait3A_528 = arith.constant 0 : i32
      %dma_wait3A_529 = tpu.memref_slice %arg2[%dma_wait3A_527, %dma_wait3A_528] : memref<10000x128xf32, #tpu.memory_space<hbm>> -> memref<10000x128xf32, #tpu.memory_space<hbm>>
      tpu.wait_indirect_dma semaphore(%arg26 : memref<!tpu.dma_semaphore, #tpu.memory_space<semaphore_mem>>) src(%dma_wait3A_529 : memref<10000x128xf32, #tpu.memory_space<hbm>>) dst(%arg13 : memref<32x128xf32, #tpu.memory_space<vmem>>)
      %mul3A_530 = arith.constant 32 : i32
      %mul3A_531 = arith.muli %add3A_522, %mul3A_530 : i32
      %multiple_of3A_532 = tpu.assume_multiple %mul3A_531, 8 : i32
      %add3A_533 = arith.constant 0 : i32
      %add3A_534 = arith.addi %multiple_of3A_532, %add3A_533 : i32
      %get3A_535 = arith.index_cast %add3A_534 : i32 to index
      %get3A_536 = tpu.vector_load %arg8[%get3A_535] {strides = array<i32>} : memref<10000xi32, #tpu.memory_space<vmem>>, vector<16xi32>,
      %get3A_537 = vector.shape_cast %get3A_536 : vector<16xi32> to vector<16xi32>
      %swap3A_538 = arith.constant 0 : index
      %swap3A_539 = tpu.vector_load %arg19[%swap3A_538] {strides = array<i32>} : memref<32xi32, #tpu.memory_space<vmem>>, vector<16xi32>,
      %swap3A_540 = vector.shape_cast %swap3A_539 : vector<16xi32> to vector<16xi32>
      %swap3A_541 = vector.shape_cast %get3A_537 : vector<16xi32> to vector<16xi32>
      tpu.vector_store %arg19[%swap3A_538], %swap3A_541 {strides = array<i32>} : memref<32xi32, #tpu.memory_space<vmem>>, vector<16xi32>,
      %add3A_542 = arith.constant 16 : i32
      %add3A_543 = arith.addi %multiple_of3A_532, %add3A_542 : i32
      %get3A_544 = arith.index_cast %add3A_543 : i32 to index
      %get3A_545 = tpu.vector_load %arg8[%get3A_544] {strides = array<i32>} : memref<10000xi32, #tpu.memory_space<vmem>>, vector<16xi32>,
      %get3A_546 = vector.shape_cast %get3A_545 : vector<16xi32> to vector<16xi32>
      %swap3A_547 = arith.constant 16 : index
      %swap3A_548 = tpu.vector_load %arg19[%swap3A_547] {strides = array<i32>} : memref<32xi32, #tpu.memory_space<vmem>>, vector<16xi32>,
      %swap3A_549 = vector.shape_cast %swap3A_548 : vector<16xi32> to vector<16xi32>
      %swap3A_550 = vector.shape_cast %get3A_546 : vector<16xi32> to vector<16xi32>
      tpu.vector_store %arg19[%swap3A_547], %swap3A_550 {strides = array<i32>} : memref<32xi32, #tpu.memory_space<vmem>>, vector<16xi32>,
      %dma_start3A_551 = arith.constant 0 : i32
      %dma_start3A_552 = arith.constant 0 : i32
      %dma_start3A_553 = tpu.memref_slice %arg21[%dma_start3A_551, %dma_start3A_552] : memref<10240x128xf32, #tpu.memory_space<vmem_shared>> -> memref<10240x128xf32, #tpu.memory_space<vmem_shared>>
      tpu.enqueue_indirect_dma source(%arg13 : memref<32x128xf32, #tpu.memory_space<vmem>>) target(%dma_start3A_553 : memref<10240x128xf32, #tpu.memory_space<vmem_shared>>) offsets(%arg19 : memref<32xi32, #tpu.memory_space<vmem>>) semaphore(%arg32 : memref<!tpu.dma_semaphore, #tpu.memory_space<semaphore_mem>>) {add = true}
      %add3A_554 = arith.constant 5 : i32
      %add3A_555 = arith.addi %mul3A_388, %add3A_554 : i32
      %mul3A_556 = arith.constant 32 : i32
      %mul3A_557 = arith.muli %add3A_555, %mul3A_556 : i32
      %multiple_of3A_558 = tpu.assume_multiple %mul3A_557, 8 : i32
      %dma_wait3A_559 = tpu.memref_slice %arg7[%multiple_of3A_558] : memref<10000xi32, #tpu.memory_space<vmem>> -> memref<32xi32, #tpu.memory_space<vmem>>
      %dma_wait3A_560 = arith.constant 0 : i32
      %dma_wait3A_561 = arith.constant 0 : i32
      %dma_wait3A_562 = tpu.memref_slice %arg2[%dma_wait3A_560, %dma_wait3A_561] : memref<10000x128xf32, #tpu.memory_space<hbm>> -> memref<10000x128xf32, #tpu.memory_space<hbm>>
      tpu.wait_indirect_dma semaphore(%arg27 : memref<!tpu.dma_semaphore, #tpu.memory_space<semaphore_mem>>) src(%dma_wait3A_562 : memref<10000x128xf32, #tpu.memory_space<hbm>>) dst(%arg14 : memref<32x128xf32, #tpu.memory_space<vmem>>)
      %mul3A_563 = arith.constant 32 : i32
      %mul3A_564 = arith.muli %add3A_555, %mul3A_563 : i32
      %multiple_of3A_565 = tpu.assume_multiple %mul3A_564, 8 : i32
      %add3A_566 = arith.constant 0 : i32
      %add3A_567 = arith.addi %multiple_of3A_565, %add3A_566 : i32
      %get3A_568 = arith.index_cast %add3A_567 : i32 to index
      %get3A_569 = tpu.vector_load %arg8[%get3A_568] {strides = array<i32>} : memref<10000xi32, #tpu.memory_space<vmem>>, vector<16xi32>,
      %get3A_570 = vector.shape_cast %get3A_569 : vector<16xi32> to vector<16xi32>
      %swap3A_571 = arith.constant 0 : index
      %swap3A_572 = tpu.vector_load %arg20[%swap3A_571] {strides = array<i32>} : memref<32xi32, #tpu.memory_space<vmem>>, vector<16xi32>,
      %swap3A_573 = vector.shape_cast %swap3A_572 : vector<16xi32> to vector<16xi32>
      %swap3A_574 = vector.shape_cast %get3A_570 : vector<16xi32> to vector<16xi32>
      tpu.vector_store %arg20[%swap3A_571], %swap3A_574 {strides = array<i32>} : memref<32xi32, #tpu.memory_space<vmem>>, vector<16xi32>,
      %add3A_575 = arith.constant 16 : i32
      %add3A_576 = arith.addi %multiple_of3A_565, %add3A_575 : i32
      %get3A_577 = arith.index_cast %add3A_576 : i32 to index
      %get3A_578 = tpu.vector_load %arg8[%get3A_577] {strides = array<i32>} : memref<10000xi32, #tpu.memory_space<vmem>>, vector<16xi32>,
      %get3A_579 = vector.shape_cast %get3A_578 : vector<16xi32> to vector<16xi32>
      %swap3A_580 = arith.constant 16 : index
      %swap3A_581 = tpu.vector_load %arg20[%swap3A_580] {strides = array<i32>} : memref<32xi32, #tpu.memory_space<vmem>>, vector<16xi32>,
      %swap3A_582 = vector.shape_cast %swap3A_581 : vector<16xi32> to vector<16xi32>
      %swap3A_583 = vector.shape_cast %get3A_579 : vector<16xi32> to vector<16xi32>
      tpu.vector_store %arg20[%swap3A_580], %swap3A_583 {strides = array<i32>} : memref<32xi32, #tpu.memory_space<vmem>>, vector<16xi32>,
      %dma_start3A_584 = arith.constant 0 : i32
      %dma_start3A_585 = arith.constant 0 : i32
      %dma_start3A_586 = tpu.memref_slice %arg21[%dma_start3A_584, %dma_start3A_585] : memref<10240x128xf32, #tpu.memory_space<vmem_shared>> -> memref<10240x128xf32, #tpu.memory_space<vmem_shared>>
      tpu.enqueue_indirect_dma source(%arg14 : memref<32x128xf32, #tpu.memory_space<vmem>>) target(%dma_start3A_586 : memref<10240x128xf32, #tpu.memory_space<vmem_shared>>) offsets(%arg20 : memref<32xi32, #tpu.memory_space<vmem>>) semaphore(%arg33 : memref<!tpu.dma_semaphore, #tpu.memory_space<semaphore_mem>>) {add = true}
      %add3A_587 = arith.constant 0 : i32
      %add3A_588 = arith.addi %mul3A_388, %add3A_587 : i32
      %dma_wait3A_589 = arith.constant 0 : i32
      %dma_wait3A_590 = arith.constant 0 : i32
      %dma_wait3A_591 = tpu.memref_slice %arg21[%dma_wait3A_589, %dma_wait3A_590] : memref<10240x128xf32, #tpu.memory_space<vmem_shared>> -> memref<10240x128xf32, #tpu.memory_space<vmem_shared>>
      tpu.wait_indirect_dma semaphore(%arg28 : memref<!tpu.dma_semaphore, #tpu.memory_space<semaphore_mem>>) src(%arg9 : memref<32x128xf32, #tpu.memory_space<vmem>>) dst(%dma_wait3A_591 : memref<10240x128xf32, #tpu.memory_space<vmem_shared>>)
      %add3A_592 = arith.constant 6 : i32
      %add3A_593 = arith.addi %add3A_588, %add3A_592 : i32
      %lt3A = arith.constant 312 : i32
      %lt3A_594 = arith.cmpi slt, %add3A_593, %lt3A : i32
      %convert_element_type3A = arith.extui %lt3A_594 : i1 to i32
      %cond3A = arith.constant 0 : i32
      %cond3A_595 = arith.cmpi ne, %convert_element_type3A, %cond3A : i32
      scf.if %cond3A_595 {
        %add3A_656 = arith.constant 6 : i32
        %add3A_657 = arith.addi %add3A_588, %add3A_656 : i32
        %mul3A_658 = arith.constant 32 : i32
        %mul3A_659 = arith.muli %add3A_657, %mul3A_658 : i32
        %multiple_of3A_660 = tpu.assume_multiple %mul3A_659, 8 : i32
        %dma_start3A_661 = tpu.memref_slice %arg7[%multiple_of3A_660] : memref<10000xi32, #tpu.memory_space<vmem>> -> memref<32xi32, #tpu.memory_space<vmem>>
        %dma_start3A_662 = arith.constant 0 : i32
        %dma_start3A_663 = arith.constant 0 : i32
        %dma_start3A_664 = tpu.memref_slice %arg2[%dma_start3A_662, %dma_start3A_663] : memref<10000x128xf32, #tpu.memory_space<hbm>> -> memref<10000x128xf32, #tpu.memory_space<hbm>>
        tpu.enqueue_indirect_dma source(%dma_start3A_664 : memref<10000x128xf32, #tpu.memory_space<hbm>>) target(%arg9 : memref<32x128xf32, #tpu.memory_space<vmem>>) offsets(%dma_start3A_661 : memref<32xi32, #tpu.memory_space<vmem>>) semaphore(%arg22 : memref<!tpu.dma_semaphore, #tpu.memory_space<semaphore_mem>>)
      } else {
      }
      %add3A_596 = arith.constant 1 : i32
      %add3A_597 = arith.addi %mul3A_388, %add3A_596 : i32
      %dma_wait3A_598 = arith.constant 0 : i32
      %dma_wait3A_599 = arith.constant 0 : i32
      %dma_wait3A_600 = tpu.memref_slice %arg21[%dma_wait3A_598, %dma_wait3A_599] : memref<10240x128xf32, #tpu.memory_space<vmem_shared>> -> memref<10240x128xf32, #tpu.memory_space<vmem_shared>>
      tpu.wait_indirect_dma semaphore(%arg29 : memref<!tpu.dma_semaphore, #tpu.memory_space<semaphore_mem>>) src(%arg10 : memref<32x128xf32, #tpu.memory_space<vmem>>) dst(%dma_wait3A_600 : memref<10240x128xf32, #tpu.memory_space<vmem_shared>>)
      %add3A_601 = arith.constant 6 : i32
      %add3A_602 = arith.addi %add3A_597, %add3A_601 : i32
      %lt3A_603 = arith.constant 312 : i32
      %lt3A_604 = arith.cmpi slt, %add3A_602, %lt3A_603 : i32
      %convert_element_type3A_605 = arith.extui %lt3A_604 : i1 to i32
      %cond3A_606 = arith.constant 0 : i32
      %cond3A_607 = arith.cmpi ne, %convert_element_type3A_605, %cond3A_606 : i32
      scf.if %cond3A_607 {
        %add3A_656 = arith.constant 6 : i32
        %add3A_657 = arith.addi %add3A_597, %add3A_656 : i32
        %mul3A_658 = arith.constant 32 : i32
        %mul3A_659 = arith.muli %add3A_657, %mul3A_658 : i32
        %multiple_of3A_660 = tpu.assume_multiple %mul3A_659, 8 : i32
        %dma_start3A_661 = tpu.memref_slice %arg7[%multiple_of3A_660] : memref<10000xi32, #tpu.memory_space<vmem>> -> memref<32xi32, #tpu.memory_space<vmem>>
        %dma_start3A_662 = arith.constant 0 : i32
        %dma_start3A_663 = arith.constant 0 : i32
        %dma_start3A_664 = tpu.memref_slice %arg2[%dma_start3A_662, %dma_start3A_663] : memref<10000x128xf32, #tpu.memory_space<hbm>> -> memref<10000x128xf32, #tpu.memory_space<hbm>>
        tpu.enqueue_indirect_dma source(%dma_start3A_664 : memref<10000x128xf32, #tpu.memory_space<hbm>>) target(%arg10 : memref<32x128xf32, #tpu.memory_space<vmem>>) offsets(%dma_start3A_661 : memref<32xi32, #tpu.memory_space<vmem>>) semaphore(%arg23 : memref<!tpu.dma_semaphore, #tpu.memory_space<semaphore_mem>>)
      } else {
      }
      %add3A_608 = arith.constant 2 : i32
      %add3A_609 = arith.addi %mul3A_388, %add3A_608 : i32
      %dma_wait3A_610 = arith.constant 0 : i32
      %dma_wait3A_611 = arith.constant 0 : i32
      %dma_wait3A_612 = tpu.memref_slice %arg21[%dma_wait3A_610, %dma_wait3A_611] : memref<10240x128xf32, #tpu.memory_space<vmem_shared>> -> memref<10240x128xf32, #tpu.memory_space<vmem_shared>>
      tpu.wait_indirect_dma semaphore(%arg30 : memref<!tpu.dma_semaphore, #tpu.memory_space<semaphore_mem>>) src(%arg11 : memref<32x128xf32, #tpu.memory_space<vmem>>) dst(%dma_wait3A_612 : memref<10240x128xf32, #tpu.memory_space<vmem_shared>>)
      %add3A_613 = arith.constant 6 : i32
      %add3A_614 = arith.addi %add3A_609, %add3A_613 : i32
      %lt3A_615 = arith.constant 312 : i32
      %lt3A_616 = arith.cmpi slt, %add3A_614, %lt3A_615 : i32
      %convert_element_type3A_617 = arith.extui %lt3A_616 : i1 to i32
      %cond3A_618 = arith.constant 0 : i32
      %cond3A_619 = arith.cmpi ne, %convert_element_type3A_617, %cond3A_618 : i32
      scf.if %cond3A_619 {
        %add3A_656 = arith.constant 6 : i32
        %add3A_657 = arith.addi %add3A_609, %add3A_656 : i32
        %mul3A_658 = arith.constant 32 : i32
        %mul3A_659 = arith.muli %add3A_657, %mul3A_658 : i32
        %multiple_of3A_660 = tpu.assume_multiple %mul3A_659, 8 : i32
        %dma_start3A_661 = tpu.memref_slice %arg7[%multiple_of3A_660] : memref<10000xi32, #tpu.memory_space<vmem>> -> memref<32xi32, #tpu.memory_space<vmem>>
        %dma_start3A_662 = arith.constant 0 : i32
        %dma_start3A_663 = arith.constant 0 : i32
        %dma_start3A_664 = tpu.memref_slice %arg2[%dma_start3A_662, %dma_start3A_663] : memref<10000x128xf32, #tpu.memory_space<hbm>> -> memref<10000x128xf32, #tpu.memory_space<hbm>>
        tpu.enqueue_indirect_dma source(%dma_start3A_664 : memref<10000x128xf32, #tpu.memory_space<hbm>>) target(%arg11 : memref<32x128xf32, #tpu.memory_space<vmem>>) offsets(%dma_start3A_661 : memref<32xi32, #tpu.memory_space<vmem>>) semaphore(%arg24 : memref<!tpu.dma_semaphore, #tpu.memory_space<semaphore_mem>>)
      } else {
      }
      %add3A_620 = arith.constant 3 : i32
      %add3A_621 = arith.addi %mul3A_388, %add3A_620 : i32
      %dma_wait3A_622 = arith.constant 0 : i32
      %dma_wait3A_623 = arith.constant 0 : i32
      %dma_wait3A_624 = tpu.memref_slice %arg21[%dma_wait3A_622, %dma_wait3A_623] : memref<10240x128xf32, #tpu.memory_space<vmem_shared>> -> memref<10240x128xf32, #tpu.memory_space<vmem_shared>>
      tpu.wait_indirect_dma semaphore(%arg31 : memref<!tpu.dma_semaphore, #tpu.memory_space<semaphore_mem>>) src(%arg12 : memref<32x128xf32, #tpu.memory_space<vmem>>) dst(%dma_wait3A_624 : memref<10240x128xf32, #tpu.memory_space<vmem_shared>>)
      %add3A_625 = arith.constant 6 : i32
      %add3A_626 = arith.addi %add3A_621, %add3A_625 : i32
      %lt3A_627 = arith.constant 312 : i32
      %lt3A_628 = arith.cmpi slt, %add3A_626, %lt3A_627 : i32
      %convert_element_type3A_629 = arith.extui %lt3A_628 : i1 to i32
      %cond3A_630 = arith.constant 0 : i32
      %cond3A_631 = arith.cmpi ne, %convert_element_type3A_629, %cond3A_630 : i32
      scf.if %cond3A_631 {
        %add3A_656 = arith.constant 6 : i32
        %add3A_657 = arith.addi %add3A_621, %add3A_656 : i32
        %mul3A_658 = arith.constant 32 : i32
        %mul3A_659 = arith.muli %add3A_657, %mul3A_658 : i32
        %multiple_of3A_660 = tpu.assume_multiple %mul3A_659, 8 : i32
        %dma_start3A_661 = tpu.memref_slice %arg7[%multiple_of3A_660] : memref<10000xi32, #tpu.memory_space<vmem>> -> memref<32xi32, #tpu.memory_space<vmem>>
        %dma_start3A_662 = arith.constant 0 : i32
        %dma_start3A_663 = arith.constant 0 : i32
        %dma_start3A_664 = tpu.memref_slice %arg2[%dma_start3A_662, %dma_start3A_663] : memref<10000x128xf32, #tpu.memory_space<hbm>> -> memref<10000x128xf32, #tpu.memory_space<hbm>>
        tpu.enqueue_indirect_dma source(%dma_start3A_664 : memref<10000x128xf32, #tpu.memory_space<hbm>>) target(%arg12 : memref<32x128xf32, #tpu.memory_space<vmem>>) offsets(%dma_start3A_661 : memref<32xi32, #tpu.memory_space<vmem>>) semaphore(%arg25 : memref<!tpu.dma_semaphore, #tpu.memory_space<semaphore_mem>>)
      } else {
      }
      %add3A_632 = arith.constant 4 : i32
      %add3A_633 = arith.addi %mul3A_388, %add3A_632 : i32
      %dma_wait3A_634 = arith.constant 0 : i32
      %dma_wait3A_635 = arith.constant 0 : i32
      %dma_wait3A_636 = tpu.memref_slice %arg21[%dma_wait3A_634, %dma_wait3A_635] : memref<10240x128xf32, #tpu.memory_space<vmem_shared>> -> memref<10240x128xf32, #tpu.memory_space<vmem_shared>>
      tpu.wait_indirect_dma semaphore(%arg32 : memref<!tpu.dma_semaphore, #tpu.memory_space<semaphore_mem>>) src(%arg13 : memref<32x128xf32, #tpu.memory_space<vmem>>) dst(%dma_wait3A_636 : memref<10240x128xf32, #tpu.memory_space<vmem_shared>>)
      %add3A_637 = arith.constant 6 : i32
      %add3A_638 = arith.addi %add3A_633, %add3A_637 : i32
      %lt3A_639 = arith.constant 312 : i32
      %lt3A_640 = arith.cmpi slt, %add3A_638, %lt3A_639 : i32
      %convert_element_type3A_641 = arith.extui %lt3A_640 : i1 to i32
      %cond3A_642 = arith.constant 0 : i32
      %cond3A_643 = arith.cmpi ne, %convert_element_type3A_641, %cond3A_642 : i32
      scf.if %cond3A_643 {
        %add3A_656 = arith.constant 6 : i32
        %add3A_657 = arith.addi %add3A_633, %add3A_656 : i32
        %mul3A_658 = arith.constant 32 : i32
        %mul3A_659 = arith.muli %add3A_657, %mul3A_658 : i32
        %multiple_of3A_660 = tpu.assume_multiple %mul3A_659, 8 : i32
        %dma_start3A_661 = tpu.memref_slice %arg7[%multiple_of3A_660] : memref<10000xi32, #tpu.memory_space<vmem>> -> memref<32xi32, #tpu.memory_space<vmem>>
        %dma_start3A_662 = arith.constant 0 : i32
        %dma_start3A_663 = arith.constant 0 : i32
        %dma_start3A_664 = tpu.memref_slice %arg2[%dma_start3A_662, %dma_start3A_663] : memref<10000x128xf32, #tpu.memory_space<hbm>> -> memref<10000x128xf32, #tpu.memory_space<hbm>>
        tpu.enqueue_indirect_dma source(%dma_start3A_664 : memref<10000x128xf32, #tpu.memory_space<hbm>>) target(%arg13 : memref<32x128xf32, #tpu.memory_space<vmem>>) offsets(%dma_start3A_661 : memref<32xi32, #tpu.memory_space<vmem>>) semaphore(%arg26 : memref<!tpu.dma_semaphore, #tpu.memory_space<semaphore_mem>>)
      } else {
      }
      %add3A_644 = arith.constant 5 : i32
      %add3A_645 = arith.addi %mul3A_388, %add3A_644 : i32
      %dma_wait3A_646 = arith.constant 0 : i32
      %dma_wait3A_647 = arith.constant 0 : i32
      %dma_wait3A_648 = tpu.memref_slice %arg21[%dma_wait3A_646, %dma_wait3A_647] : memref<10240x128xf32, #tpu.memory_space<vmem_shared>> -> memref<10240x128xf32, #tpu.memory_space<vmem_shared>>
      tpu.wait_indirect_dma semaphore(%arg33 : memref<!tpu.dma_semaphore, #tpu.memory_space<semaphore_mem>>) src(%arg14 : memref<32x128xf32, #tpu.memory_space<vmem>>) dst(%dma_wait3A_648 : memref<10240x128xf32, #tpu.memory_space<vmem_shared>>)
      %add3A_649 = arith.constant 6 : i32
      %add3A_650 = arith.addi %add3A_645, %add3A_649 : i32
      %lt3A_651 = arith.constant 312 : i32
      %lt3A_652 = arith.cmpi slt, %add3A_650, %lt3A_651 : i32
      %convert_element_type3A_653 = arith.extui %lt3A_652 : i1 to i32
      %cond3A_654 = arith.constant 0 : i32
      %cond3A_655 = arith.cmpi ne, %convert_element_type3A_653, %cond3A_654 : i32
      scf.if %cond3A_655 {
        %add3A_656 = arith.constant 6 : i32
        %add3A_657 = arith.addi %add3A_645, %add3A_656 : i32
        %mul3A_658 = arith.constant 32 : i32
        %mul3A_659 = arith.muli %add3A_657, %mul3A_658 : i32
        %multiple_of3A_660 = tpu.assume_multiple %mul3A_659, 8 : i32
        %dma_start3A_661 = tpu.memref_slice %arg7[%multiple_of3A_660] : memref<10000xi32, #tpu.memory_space<vmem>> -> memref<32xi32, #tpu.memory_space<vmem>>
        %dma_start3A_662 = arith.constant 0 : i32
        %dma_start3A_663 = arith.constant 0 : i32
        %dma_start3A_664 = tpu.memref_slice %arg2[%dma_start3A_662, %dma_start3A_663] : memref<10000x128xf32, #tpu.memory_space<hbm>> -> memref<10000x128xf32, #tpu.memory_space<hbm>>
        tpu.enqueue_indirect_dma source(%dma_start3A_664 : memref<10000x128xf32, #tpu.memory_space<hbm>>) target(%arg14 : memref<32x128xf32, #tpu.memory_space<vmem>>) offsets(%dma_start3A_661 : memref<32xi32, #tpu.memory_space<vmem>>) semaphore(%arg27 : memref<!tpu.dma_semaphore, #tpu.memory_space<semaphore_mem>>)
      } else {
      }
    }
    %scan3A_358 = arith.constant 52 : i32
    %get3A = arith.constant 9984 : index
    %get3A_359 = tpu.vector_load %arg7[%get3A] {strides = array<i32>} : memref<10000xi32, #tpu.memory_space<vmem>>, vector<16xi32>,
    %get3A_360 = vector.shape_cast %get3A_359 : vector<16xi32> to vector<16xi32>
    %swap3A = arith.constant 0 : index
    %swap3A_361 = tpu.vector_load %arg36[%swap3A] {strides = array<i32>} : memref<16xi32, #tpu.memory_space<vmem>>, vector<16xi32>,
    %swap3A_362 = vector.shape_cast %swap3A_361 : vector<16xi32> to vector<16xi32>
    %swap3A_363 = vector.shape_cast %get3A_360 : vector<16xi32> to vector<16xi32>
    tpu.vector_store %arg36[%swap3A], %swap3A_363 {strides = array<i32>} : memref<16xi32, #tpu.memory_space<vmem>>, vector<16xi32>,
    %dma_start3A_364 = arith.constant 0 : i32
    %dma_start3A_365 = arith.constant 0 : i32
    %dma_start3A_366 = tpu.memref_slice %arg2[%dma_start3A_364, %dma_start3A_365] : memref<10000x128xf32, #tpu.memory_space<hbm>> -> memref<10000x128xf32, #tpu.memory_space<hbm>>
    tpu.enqueue_indirect_dma source(%dma_start3A_366 : memref<10000x128xf32, #tpu.memory_space<hbm>>) target(%arg35 : memref<16x128xf32, #tpu.memory_space<vmem>>) offsets(%arg36 : memref<16xi32, #tpu.memory_space<vmem>>) semaphore(%arg22 : memref<!tpu.dma_semaphore, #tpu.memory_space<semaphore_mem>>)
    %dma_wait3A_367 = arith.constant 0 : i32
    %dma_wait3A_368 = arith.constant 0 : i32
    %dma_wait3A_369 = tpu.memref_slice %arg2[%dma_wait3A_367, %dma_wait3A_368] : memref<10000x128xf32, #tpu.memory_space<hbm>> -> memref<10000x128xf32, #tpu.memory_space<hbm>>
    tpu.wait_indirect_dma semaphore(%arg22 : memref<!tpu.dma_semaphore, #tpu.memory_space<semaphore_mem>>) src(%dma_wait3A_369 : memref<10000x128xf32, #tpu.memory_space<hbm>>) dst(%arg35 : memref<16x128xf32, #tpu.memory_space<vmem>>)
    %get3A_370 = arith.constant 9984 : index
    %get3A_371 = tpu.vector_load %arg8[%get3A_370] {strides = array<i32>} : memref<10000xi32, #tpu.memory_space<vmem>>, vector<16xi32>,
    %get3A_372 = vector.shape_cast %get3A_371 : vector<16xi32> to vector<16xi32>
    %swap3A_373 = arith.constant 0 : index
    %swap3A_374 = tpu.vector_load %arg36[%swap3A_373] {strides = array<i32>} : memref<16xi32, #tpu.memory_space<vmem>>, vector<16xi32>,
    %swap3A_375 = vector.shape_cast %swap3A_374 : vector<16xi32> to vector<16xi32>
    %swap3A_376 = vector.shape_cast %get3A_372 : vector<16xi32> to vector<16xi32>
    tpu.vector_store %arg36[%swap3A_373], %swap3A_376 {strides = array<i32>} : memref<16xi32, #tpu.memory_space<vmem>>, vector<16xi32>,
    %dma_start3A_377 = arith.constant 0 : i32
    %dma_start3A_378 = arith.constant 0 : i32
    %dma_start3A_379 = tpu.memref_slice %arg21[%dma_start3A_377, %dma_start3A_378] : memref<10240x128xf32, #tpu.memory_space<vmem_shared>> -> memref<10240x128xf32, #tpu.memory_space<vmem_shared>>
    tpu.enqueue_indirect_dma source(%arg35 : memref<16x128xf32, #tpu.memory_space<vmem>>) target(%dma_start3A_379 : memref<10240x128xf32, #tpu.memory_space<vmem_shared>>) offsets(%arg36 : memref<16xi32, #tpu.memory_space<vmem>>) semaphore(%arg28 : memref<!tpu.dma_semaphore, #tpu.memory_space<semaphore_mem>>) {add = true}
    %dma_wait3A_380 = arith.constant 0 : i32
    %dma_wait3A_381 = arith.constant 0 : i32
    %dma_wait3A_382 = tpu.memref_slice %arg21[%dma_wait3A_380, %dma_wait3A_381] : memref<10240x128xf32, #tpu.memory_space<vmem_shared>> -> memref<10240x128xf32, #tpu.memory_space<vmem_shared>>
    tpu.wait_indirect_dma semaphore(%arg28 : memref<!tpu.dma_semaphore, #tpu.memory_space<semaphore_mem>>) src(%arg35 : memref<16x128xf32, #tpu.memory_space<vmem>>) dst(%dma_wait3A_382 : memref<10240x128xf32, #tpu.memory_space<vmem_shared>>)
    %barrier3A_383 = arith.constant 0 : index
    tpu.barrier barrier_id(%barrier3A_383)
    %mul3A_384 = arith.constant 640 : i32
    %mul3A_385 = arith.muli %arg1, %mul3A_384 : i32
    "tpu.region"() ({
      %run_scoped3A = tpu.sem_alloc : memref<!tpu.dma_semaphore, #tpu.memory_space<semaphore_mem>>
      %dma_start3A_386 = arith.constant 0 : i32
      %dma_start3A_387 = tpu.memref_slice %arg6[%arg0, %mul3A_385, %dma_start3A_386] : memref<2x10240x128xf32, #tpu.memory_space<hbm>> -> memref<1x640x128xf32, #tpu.memory_space<hbm>>
      %dma_start3A_388 = tpu.memref_squeeze %dma_start3A_387 : memref<1x640x128xf32, #tpu.memory_space<hbm>> -> memref<640x128xf32, #tpu.memory_space<hbm>>
      %dma_start3A_389 = arith.constant 0 : i32
      %dma_start3A_390 = tpu.memref_slice %arg21[%mul3A_385, %dma_start3A_389] : memref<10240x128xf32, #tpu.memory_space<vmem_shared>> -> memref<640x128xf32, #tpu.memory_space<vmem_shared>>
      tpu.enqueue_dma source(%dma_start3A_390 : memref<640x128xf32, #tpu.memory_space<vmem_shared>>) target(%dma_start3A_388 : memref<640x128xf32, #tpu.memory_space<hbm>>) target_semaphore(%run_scoped3A : memref<!tpu.dma_semaphore, #tpu.memory_space<semaphore_mem>>)
      %dma_wait3A_391 = arith.constant 0 : i32
      %dma_wait3A_392 = tpu.memref_slice %arg6[%arg0, %mul3A_385, %dma_wait3A_391] : memref<2x10240x128xf32, #tpu.memory_space<hbm>> -> memref<1x640x128xf32, #tpu.memory_space<hbm>>
      %dma_wait3A_393 = tpu.memref_squeeze %dma_wait3A_392 : memref<1x640x128xf32, #tpu.memory_space<hbm>> -> memref<640x128xf32, #tpu.memory_space<hbm>>
      %dma_wait3A_394 = arith.constant 0 : i32
      %dma_wait3A_395 = tpu.memref_slice %arg21[%mul3A_385, %dma_wait3A_394] : memref<10240x128xf32, #tpu.memory_space<vmem_shared>> -> memref<640x128xf32, #tpu.memory_space<vmem_shared>>
      tpu.wait_dma2 semaphore(%run_scoped3A : memref<!tpu.dma_semaphore, #tpu.memory_space<semaphore_mem>>) src(%dma_wait3A_395 : memref<640x128xf32, #tpu.memory_space<vmem_shared>>) dst(%dma_wait3A_393 : memref<640x128xf32, #tpu.memory_space<hbm>>)
      tpu.yield
    }) : () -> ()
    return
  }
}

module attributes {stable_mosaic.version = 14 : i64} {
  func.func @_combine_body(%arg0: i32, %arg1: memref<2x5000x128xf32, #tpu.memory_space<vmem>>, %arg2: memref<5000x128xf32, #tpu.memory_space<vmem>>) attributes {dimension_semantics = [#tpu.dimension_semantics<arbitrary>], iteration_bounds = array<i64: 2>, scalar_prefetch = 0 : i64, scratch_operands = 0 : i64, tpu.core_type = #tpu.core_type<tc>, window_params = [{transform_indices = @transform_0, window_bounds = array<i64: 2, 5000, 128>}, {transform_indices = @transform_1, window_bounds = array<i64: 5000, 128>}]} {
    %get3A = arith.constant 0 : index
    %get3A_0 = arith.constant 0 : index
    %get3A_1 = arith.constant 0 : index
    %get3A_2 = vector.load %arg1[%get3A, %get3A_0, %get3A_1] : memref<2x5000x128xf32, #tpu.memory_space<vmem>>, vector<1x5000x128xf32>
    %get3A_3 = vector.shape_cast %get3A_2 : vector<1x5000x128xf32> to vector<5000x128xf32>
    %get3A_4 = arith.constant 1 : index
    %get3A_5 = arith.constant 0 : index
    %get3A_6 = arith.constant 0 : index
    %get3A_7 = vector.load %arg1[%get3A_4, %get3A_5, %get3A_6] : memref<2x5000x128xf32, #tpu.memory_space<vmem>>, vector<1x5000x128xf32>
    %get3A_8 = vector.shape_cast %get3A_7 : vector<1x5000x128xf32> to vector<5000x128xf32>
    %add3A = arith.addf %get3A_3, %get3A_8 : vector<5000x128xf32>
    %swap3A = arith.constant 0 : index
    %swap3A_9 = arith.constant 0 : index
    %swap3A_10 = vector.load %arg2[%swap3A, %swap3A_9] : memref<5000x128xf32, #tpu.memory_space<vmem>>, vector<5000x128xf32>
    tpu.vector_store %arg2[%swap3A, %swap3A_9], %add3A {strides = array<i32>} : memref<5000x128xf32, #tpu.memory_space<vmem>>, vector<5000x128xf32>,
    return
  }
  func.func @transform_0(%arg0: i32) -> (i32, i32, i32) {
    %c0_i32 = arith.constant 0 : i32
    %c0_i32_0 = arith.constant 0 : i32
    %c0_i32_1 = arith.constant 0 : i32
    return %c0_i32, %arg0, %c0_i32_0 : i32, i32, i32
  }
  func.func @transform_1(%arg0: i32) -> (i32, i32) {
    %c0_i32 = arith.constant 0 : i32
    %c0_i32_0 = arith.constant 0 : i32
    return %arg0, %c0_i32 : i32, i32
  }
}

</mosaic_0001>

<sc_bundles>
// kernel: kernel.4.cloned.1.call-start
scs
__scs_entry_jumppad:
0x0: {  	(pc) =	sbr.rel $0x88, $3  }
0x1: {  	(tag) =	ssettag $0x0;
	lr =	simm.s32 $0x1  }
0x2: {  	[smem:$0x3F9F] =	sst lr;
	_ =	strace $0xD0000000  }
0x3: {  	_ = 	snop  }
0x4: {  	_ = 	snop  }
0x5: {  	_ = 	snop  }
0x6: {  	_ = 	snop  }
0x7: {  	_ = 	snop  }
__scs_overlays_trampoline_lowered:
0x8: {  	[smem:$0x3FAE] =	sst s0  }
0x9: {  	[smem:$0x3FAF] =	sst s1  }
0xa: {  	[smem:$0x3FB0] =	sst s2  }
0xb: {  	[smem:$0x3FB1] =	sst s3  }
0xc: {  	[smem:$0x3FB2] =	sst s4  }
0xd: {  	[smem:$0x3FB3] =	sst s5  }
0xe: {  	[smem:$0x3FB4] =	sst s6  }
0xf: {  	[smem:$0x3FB5] =	sst s7  }
0x10: {  	[smem:$0x3FB6] =	sst s8  }
0x11: {  	[smem:$0x3FB7] =	sst s9;
	s0 =	simm.s32 @!p0 $0x0  }
0x12: {  	s1 =	sld [smem:$0x3F9D];
	s0 =	simm.s32 @p0 $0x1  }
0x13: {  	[smem:$0x3FB8] =	sst s0;
	s0 =	simm.s32 @!p1 $0x0  }
0x14: {  	s2 =	sld [smem:$0x3F9C];
	s0 =	simm.s32 @p1 $0x1  }
0x15: {  	[smem:$0x3FB9] =	sst s0;
	s0 =	simm.s32 @!p2 $0x0  }
0x16: {  	s3 =	sld [smem:$0x3FDB];
	s0 =	simm.s32 @p2 $0x1  }
0x17: {  	s4 =	simm.s32 $0x1BF5;
	[smem:$0x3FBB] =	sst s0  }
0x18: {  	s0 =	sld [smem:$0x3F9E];
	_ =	swait.ge [sflag:s4], $0x0  }
0x19: {  	s7 =	sld [smem:$0x3F9F]  }
0x1a: {  	s8 =	sadd.s32 $0xFFFFE003, lr  }
0x1b: {  	s9 =	sadd.s32 $0xFFFFFEF7, lr;
	s5 =	simm.s32 $0xFFFFFFFF;
	p2 =	slt.u32 s8, $0xFFFFF086  }
0x1c: {  	p1 =	slt.u32 s9, $0xF7A;
	s5 =	simm.s32 @!p2 $0x0  }
0x1d: {  	s5 =	simm.s32 @p1 $0x1;
	p0 =	seq.s32 s7, s2  }
0x1e: {  	s7 =	smul.u32 @!p0 $0xF7A, s2;
	p2 =	seq.s32 @!p0 s5, $0x0  }
0x1f: {  	s9 =	smul.u32 $0xF7A, s1;
	s8 =	simm.s32 @!p0 $0x1BF5;
	p2 =	por !p2, p0  }
0x20: {  	[sflag:s8] =	ssyncset.s32 @!p0 $0xFFFFF086;
	s6 =	sadd.s32 @!p0 s3, s7;
	s7 =	simm.s32 @!p0 $0x108  }
0x21: {  	s3 =	sadd.s32 s3, s9;
	s6 =	sadd.s32 @!p0 $0x88, s6;
	s7 =	simm.s32 @p2 $0x1082  }
0x22: {  	[simem:s7], [sflag:s8] =	dma.local @!p0 [hbm:s6], $0xF7A  }
0x23: {  	s9 =	sor.u32 $0xD0000000, s2;
	s6 =	simm.s32 $0x108;
	_ =	swait.ge @!p0 [sflag:s8], $0x0  }
0x24: {  	s3 =	sadd.s32 $0x88, s3;
	s6 =	simm.s32 @!p1 $0x1082;
	[sflag:s4] =	ssyncset.s32 $0xFFFFF086  }
0x25: {  	[simem:s6], [sflag:s4] =	dma.local [hbm:s3], $0xF7A  }
0x26: {  	[smem:$0x3F9F] =	sst s1;
	(tag) =	ssettag s2;
	_ =	strace s9  }
0x27: {  	s1 =	sld [smem:$0x3FAF]  }
0x28: {  	s2 =	sld [smem:$0x3FB0]  }
0x29: {  	s4 =	sld [smem:$0x3FB2]  }
0x2a: {  	p0 =	seq.s32 s5, $0x0;
	s5 =	sld [smem:$0x3FB3]  }
0x2b: {  	s6 =	sld [smem:$0x3FB4]  }
0x2c: {  	s7 =	sld [smem:$0x3FB5]  }
0x2d: {  	s3 =	simm.s32 $0x108;
	s8 =	sld [smem:$0x3FB6]  }
0x2e: {  	s3 =	simm.s32 @!p0 $0x1082;
	s9 =	sld [smem:$0x3FB7]  }
0x2f: {  	lr =	sadd.s32 s0, s3;
	s0 =	sld [smem:$0x3FAE]  }
0x30: {  	s3 =	sld [smem:$0x3FB1]  }
0x31: {  	[smem:$0x3FBA] =	sst s10  }
0x32: {  	s10 =	sld [smem:$0x3FB8];
	_ =	sdelay $0x3  }
0x33: {  	p0 =	seq.s32 s10, $0x1;
	s10 =	sld [smem:$0x3FBA];
	_ =	sdelay $0x3  }
0x34: {  	[smem:$0x3FBA] =	sst s10  }
0x35: {  	s10 =	sld [smem:$0x3FB9];
	_ =	sdelay $0x3  }
0x36: {  	p1 =	seq.s32 s10, $0x1;
	s10 =	sld [smem:$0x3FBA];
	_ =	sdelay $0x3  }
0x37: {  	[smem:$0x3FBA] =	sst s10  }
0x38: {  	s10 =	sld [smem:$0x3FBB]  }
0x39: {  	_ = 	snop;
	(pc) =	sbr.ind lr, $3  }
0x3a: {  	_ = 	snop  }
0x3b: {  	_ = 	snop  }
0x3c: {  	p2 =	seq.s32 s10, $0x1;
	s10 =	sld [smem:$0x3FBA]  }
0x3d: {  	_ =	shalt  }
0x3e: {  	_ =	shalt  }
0x3f: {  	_ =	shalt  }
0x40: {  	_ =	shalt  }
0x41: {  	_ =	shalt  }
0x42: {  	_ =	shalt  }
0x43: {  	_ =	shalt  }
0x44: {  	_ =	shalt  }
0x45: {  	_ =	shalt  }
0x46: {  	_ =	shalt  }
0x47: {  	_ =	shalt  }
0x48: {  	_ =	shalt  }
0x49: {  	_ =	shalt  }
0x4a: {  	_ =	shalt  }
0x4b: {  	_ =	shalt  }
0x4c: {  	_ =	shalt  }
0x4d: {  	_ =	shalt  }
0x4e: {  	_ =	shalt  }
0x4f: {  	_ =	shalt  }
0x50: {  	_ =	shalt  }
0x51: {  	_ =	shalt  }
0x52: {  	_ =	shalt  }
0x53: {  	_ =	shalt  }
0x54: {  	_ =	shalt  }
0x55: {  	_ =	shalt  }
0x56: {  	_ =	shalt  }
0x57: {  	_ =	shalt  }
0x58: {  	_ =	shalt  }
0x59: {  	_ =	shalt  }
0x5a: {  	_ =	shalt  }
0x5b: {  	_ =	shalt  }
0x5c: {  	_ =	shalt  }
0x5d: {  	_ =	shalt  }
0x5e: {  	_ =	shalt  }
0x5f: {  	_ =	shalt  }
0x60: {  	_ =	shalt  }
0x61: {  	_ =	shalt  }
0x62: {  	_ =	shalt  }
0x63: {  	_ =	shalt  }
0x64: {  	_ =	shalt  }
0x65: {  	_ =	shalt  }
0x66: {  	_ =	shalt  }
0x67: {  	_ =	shalt  }
0x68: {  	_ =	shalt  }
0x69: {  	_ =	shalt  }
0x6a: {  	_ =	shalt  }
0x6b: {  	_ =	shalt  }
0x6c: {  	_ =	shalt  }
0x6d: {  	_ =	shalt  }
0x6e: {  	_ =	shalt  }
0x6f: {  	_ =	shalt  }
0x70: {  	_ =	shalt  }
0x71: {  	_ =	shalt  }
0x72: {  	_ =	shalt  }
0x73: {  	_ =	shalt  }
0x74: {  	_ =	shalt  }
0x75: {  	_ =	shalt  }
0x76: {  	_ =	shalt  }
0x77: {  	_ =	shalt  }
0x78: {  	_ =	shalt  }
0x79: {  	_ =	shalt  }
0x7a: {  	_ =	shalt  }
0x7b: {  	_ =	shalt  }
0x7c: {  	_ =	shalt  }
0x7d: {  	_ =	shalt  }
0x7e: {  	_ =	shalt  }
0x7f: {  	_ =	shalt  }
0x80: {  	_ =	shalt  }
0x81: {  	_ =	shalt  }
0x82: {  	_ =	shalt  }
0x83: {  	_ =	shalt  }
0x84: {  	_ =	shalt  }
0x85: {  	_ =	shalt  }
0x86: {  	_ =	shalt  }
0x87: {  	_ =	shalt  }
.Lfunc_end0:
.L_simem_size_0:
called_computation_lowered:
.L_overlay_start_0:
0x88: {  	s2 =	sld [smem:$0x3FD9]  }
0x89: {  	s3 =	sld [smem:$0x3FFE];
	_ =	sdelay $0x1  }
0x8a: {  	s1 =	srdreg.scid  }
0x8b: {  	s0 =	sand.u32 $0x1, s1  }
0x8c: {  	s17 =	sshll.u32 s0, $0xA;
	s2 =	sadd.s32 s3, s2  }
0x8d: {  	s2 =	sadd.s32 s2, s17  }
0x8e: {  	[smem:$0x3FC6] =	sst s2  }
0x8f: {  	_ = 	snop  }
0x90: {  	s2 =	sld [smem:$0x3FC9]  }
0x91: {  	s18 =	sld [smem:$0x3FD0];
	(tm) =	ssettm $0x1  }
0x92: {  	s4 =	sld [smem:$0x3FFB];
	_ =	sdelay $0x3  }
0x93: {  	_ =	strace s4  }
0x94: {  	s4 =	sld [smem:$0x3FFC];
	_ =	sdelay $0x3  }
0x95: {  	_ =	strace s4  }
0x96: {  	s4 =	sld [smem:$0x3FFD];
	_ =	sdelay $0x3  }
0x97: {  	_ =	strace s4  }
0x98: {  	_ =	strace $0x8FFFFFFF  }
0x99: {  	s19 =	sld [smem:$0x3FDB];
	_ =	sdelay $0x1  }
0x9a: {  	s5 =	simm.s32 $_scs_section_size  }
0x9b: {  	s6 =	simm.s32 $_size__tile_overlayer_lowered;
	s7 =	simm.s32 $_tile_overlayer_lowered  }
0x9c: {  	s22 =	simm.s32 $0x1BFF;
	s21 =	sshll.u32 s7, $0x1;
	s4 =	sadd.s32 s5, s19  }
0x9d: {  	s8 =	simm.s32 $0x0;
	s20 =	sshll.u32 s6, $0x1;
	s6 =	sadd.s32 s21, s4  }
0x9e: {  	[timem:s8], [sflag:s22] =	dma.local [hbm:s6], s20  }
0x9f: {  	_ =	swait.ge [sflag:s22], s20  }
0xa0: {  	s5 =	ssub.s32 $0x0, s20;
	[sflag:s22] =	ssyncset.done $0x0  }
0xa1: {  	[sflag:s22] =	ssyncadd.s32 s5;
	_ =	sdelay $0x1  }
0xa2: {  	s23 =	simm.s32 $0x1B8B  }
0xa3: {  	_ =	swait.ge [sflag:s23], $0x1  }
0xa4: {  	[sflag:s23] =	ssyncset.done $0x0  }
0xa5: {  	s25 =	simm.s32 $0x1B8E;
	s24 =	sld [smem:$0x3FFE];
	[sflag:s23] =	ssyncadd.s32 $0xFFFFFFFF  }
0xa6: {  	s26 =	simm.s32 $execute0_lowered;
	[smem:$0x3FD2] =	sst s25  }
0xa7: {  	s6 =	sshll.u32 s26, $0x1;
	_ =	strace $0x80000046;
	[dreg:$0x1] =	wrdreg $0xFFFFFFFF  }
0xa8: {  	s28 =	simm.s32 $_size_execute0_lowered;
	s4 =	sadd.s32 s4, s6;
	[dreg:$0x0] =	wrdreg $0x0  }
0xa9: {  	s6 =	sshll.u32 s28, $0x1;
	[dreg:$0x2] =	wrdreg s4  }
0xaa: {  	[dreg:$0x3] =	wrdreg s6  }
0xab: {  	[dreg:$0x4] =	wrdreg $0xC0  }
0xac: {  	_ =	task [dreg:s8], $0x5FFFF  }
0xad: {  	[dreg:$0x1] =	wrdreg $0xFFFFFFFF  }
0xae: {  	[dreg:$0x0] =	wrdreg $0x60  }
0xaf: {  	[dreg:$0x2] =	wrdreg s2  }
0xb0: {  	[dreg:$0x3] =	wrdreg s18  }
0xb1: {  	[dreg:$0x4] =	wrdreg s24  }
0xb2: {  	[dreg:$0x5] =	wrdreg $0xB2000  }
0xb3: {  	[dreg:$0x6] =	wrdreg $0x9  }
0xb4: {  	_ =	task.clear_ibuf [dreg:s8], $0x7FFFF;
	_ =	strace $0x90000046  }
0xb5: {  	s29 =	simm.s32 $0x9;
	_ =	strace $0x80000048  }
0xb6: {  	_ =	swait.ge [sflag:s29], $0x1  }
0xb7: {  	[sflag:s29] =	ssyncadd.s32 $0xFFFFFFFF  }
0xb8: {  	_ =	strace $0x90000048  }
0xb9: {  	_ =	sfence  }
0xba: {  	s30 =	sld [smem:$0x0];
	_ =	sdelay $0x2  }
0xbb: {  	s31 =	sshll.u32 s1, $0xD;
	s1 =	sshrl.u32 s1, $0x2  }
0xbc: {  	s3 =	sand.u32 $0x4000, s31;
	s1 =	sadd.s32 s1, s30  }
0xbd: {  	s0 =	sor.u32 s3, s0;
	s1 =	sshll.u32 s1, $0x11  }
0xbe: {  	s0 =	sor.u32 s1, s0  }
0xbf: {  	s0 =	sadd.s32 $0x8F2B, s0  }
0xc0: {  	[sflag:s0] =	ssyncadd.remote.s32 $0x1  }
0xc1: {  	_ =	sfence.sel $0xFFFF  }
0xc2: {  	[dreg:$0x0] =	wrdreg $0xFFFFFFFF;
	(pc) =	sbr.abs _section_cstart, $3  }
0xc3: {  	[dreg:$0x1] =	wrdreg $0xFFFFFFFF  }
0xc4: {  	_ =	task.clear_ibuf [dreg:s8], $0x2FFFF;
	_ =	strace $0x9FFFFFFF  }
0xc5: {  	(tm) =	ssettm $0x7FFFFFFF  }
tec
execute0_lowered:
.L_overlay_start_1:
0x0: {  	(tag) =	ssettag $0x1  }
0x1: {  	s1 =	rddreg [dreg:$0x0]  }
0x2: {  	s0 =	rddreg [dreg:$0x1]  }
0x3: {  	s3 =	rddreg [dreg:$0x2]  }
0x4: {  	s2 =	rddreg [dreg:$0x3]  }
0x5: {  	s4 =	srdreg.scid;
	s7 =	simm.s32 $0x0;
	s8 =	stileid.u32  }
0x6: {  	s4 =	sand.u32 $0x1, s4;
	[smem:$0x7FF] =	sst s7;
	s23 =	smul.u32 $0x14000, s8  }
0x7: {  	s9 =	sadd.s32 $0x9E00, s3;
	s24 =	sshll.u32 s8, $0x7;
	s5 =	smul.u32 $0x140000, s4  }
0x8: {  	s6 =	sshll.u32 s4, $0x4;
	_ =	strace $0x80000047;
	s4 =	ssub.s32 $0x2, s4  }
0x9: {  	s6 =	sor.u32 s8, s6;
	s8 =	smul.u32 $0x50000, s8;
	s25 =	sshrl.u32 s4, $0x1  }
0xa: {  	[dreg:$0x5] =	wrdreg s9;
	s6 =	sshrl.u32 s6, $0x3;
	s4 =	ssub.s32 s4, s25  }
0xb: {  	s6 =	smul.u32 $0x13C00, s6;
	s26 =	sshrl.u32 s8, $0x2;
	s22 =	smax.u32 s4, $0x1  }
0xc: {  	s7 =	sand.u32 $0x380, s24;
	s15 =	sadd.s32 s26, s2;
	[dreg:$0x19] =	wrdreg s22  }
0xd: {  	s6 =	sor.u32 s7, s6;
	s7 =	sadd.s32 $0x3000, s15;
	[dreg:$0x6] =	wrdreg s15  }
0xe: {  	s8 =	sadd.s32 $0x4000, s15;
	[dreg:$0xb] =	wrdreg s7  }
0xf: {  	s9 =	sadd.s32 $0x5000, s15;
	[dreg:$0xc] =	wrdreg s8  }
0x10: {  	s10 =	sadd.s32 $0x6000, s15;
	[dreg:$0xd] =	wrdreg s9  }
0x11: {  	s11 =	sadd.s32 $0x7000, s15;
	[dreg:$0xe] =	wrdreg s10  }
0x12: {  	s12 =	sadd.s32 $0x8000, s15;
	[dreg:$0xf] =	wrdreg s11  }
0x13: {  	s13 =	sadd.s32 $0x9000, s15;
	[dreg:$0x10] =	wrdreg s12  }
0x14: {  	s28 =	simm.s32 $0x9;
	s14 =	sadd.s32 $0xA000, s15;
	[dreg:$0x11] =	wrdreg s13  }
0x15: {  	s29 =	simm.s32 $0xA;
	s16 =	sadd.s32 $0xB000, s15;
	[dreg:$0x12] =	wrdreg s14  }
0x16: {  	s30 =	simm.s32 $0xB;
	s17 =	sadd.s32 $0xC000, s15;
	[dreg:$0x13] =	wrdreg s16  }
0x17: {  	s5 =	sadd.s32 s23, s5;
	s18 =	sadd.s32 $0xD000, s15;
	[dreg:$0x14] =	wrdreg s17  }
0x18: {  	s5 =	sshrl.u32 s5, $0x3;
	s19 =	sadd.s32 $0xE000, s15;
	[dreg:$0x15] =	wrdreg s18  }
0x19: {  	s5 =	sadd.s32 s5, s3;
	s20 =	sadd.s32 $0xF000, s15;
	[dreg:$0x16] =	wrdreg s19  }
0x1a: {  	s31 =	simm.s32 $0x0;
	s21 =	sadd.s32 $0xA000, s5;
	[dreg:$0x17] =	wrdreg s20  }
0x1b: {  	s4 =	simm.s32 $0xC;
	s23 =	sadd.s32 $0x10000, s15;
	[dreg:$0x18] =	wrdreg s21  }
0x1c: {  	s22 =	simm.s32 $0x5;
	s24 =	sadd.s32 $0x11000, s15;
	[dreg:$0x1a] =	wrdreg s23  }
0x1d: {  	s25 =	sadd.s32 $0x12000, s15;
	s26 =	sadd.s32 $0x13000, s15;
	[dreg:$0x1b] =	wrdreg s24  }
0x1e: {  	s5 =	simm.s32 $0x4F00;
	s6 =	sshrl.u32 s6, $0x3;
	[dreg:$0x1c] =	wrdreg s25  }
0x1f: {  	[dreg:$0x1d] =	wrdreg s26;
	s7 =	simm.s32 $0xD;
	s8 =	simm.s32 $0x20  }
0x20: {  	s9 =	simm.s32 $0x5F00;
	s10 =	simm.s32 $0x6F00;
	s11 =	simm.s32 $0x7F00  }
0x21: {  	s12 =	simm.s32 $0x8F00;
	s13 =	simm.s32 $0x9F00;
	s14 =	simm.s32 $0x1  }
0x22: {  	s16 =	simm.s32 $0x2;
	s18 =	simm.s32 $0x3;
	s20 =	simm.s32 $0x4  }
.Ltmp0:
0x23: {  	s21 =	simm.s32 $0xB080;
	s3 =	sadd.s32 s3, s6;
	(pc) =	sbr.rel .LBB2_1-.Ltmp0, $4  }
0x24: {  	s23 =	simm.s32 $0xB100;
	s0 =	sadd.s32 s0, s6;
	[dreg:$0x7] =	wrdreg s3  }
0x25: {  	s24 =	simm.s32 $0x6;
	s6 =	sadd.s32 $0x2000, s15;
	[dreg:$0x8] =	wrdreg s0  }
0x26: {  	s25 =	simm.s32 $0xB180;
	s3 =	sadd.s32 $0x1000, s15;
	[dreg:$0xa] =	wrdreg s6  }
0x27: {  	s26 =	simm.s32 $0x7;
	s0 =	simm.s32 $0x8;
	[dreg:$0x9] =	wrdreg s3  }
.LBB2_4:
0x28: {  	_ =	swait.ge [sflag:s0], $0x1000  }
0x29: {  	[sflag:s0] =	ssyncset.done $0x0  }
0x2a: {  	[sflag:s0] =	ssyncadd.s32 $0xFFFFF000  }
0x2b: {  	_ =	swait.ge [sflag:s28], $0x1000  }
0x2c: {  	[sflag:s28] =	ssyncset.done $0x0  }
0x2d: {  	[sflag:s28] =	ssyncadd.s32 $0xFFFFF000  }
0x2e: {  	_ =	swait.ge [sflag:s29], $0x1000  }
0x2f: {  	[sflag:s29] =	ssyncset.done $0x0  }
0x30: {  	[sflag:s29] =	ssyncadd.s32 $0xFFFFF000  }
0x31: {  	_ =	swait.ge [sflag:s30], $0x1000  }
0x32: {  	[sflag:s30] =	ssyncset.done $0x0  }
0x33: {  	[sflag:s30] =	ssyncadd.s32 $0xFFFFF000  }
0x34: {  	_ =	swait.ge [sflag:s4], $0x1000  }
0x35: {  	[sflag:s4] =	ssyncset.done $0x0  }
0x36: {  	[sflag:s4] =	ssyncadd.s32 $0xFFFFF000  }
0x37: {  	v0 =	vld [tilespmem:$0x2700];
	_ =	sdelay $0x4  }
0x38: {  	s3 =	simm.s32 $0x10;
	s6 =	simm.s32 $0x1FA00;
	s15 =	simm.s32 $0x1F200;
	[tilespmem:$0x1FA00] =	vst v0  }
0x39: {  	[tilespmem:s15], [sflag:$0x1] =	stream.indirect.gather [hbm4b:s1+s3], $0x80, s6, s3, $0xb8;
	[tilespmem:$0x1FA80] =	vst v63  }
0x3a: {  	_ =	swait.ge [sflag:s14], $0x800  }
0x3b: {  	[sflag:s14] =	ssyncset.done $0x0  }
0x3c: {  	[sflag:s14] =	ssyncadd.s32 $0xFFFFF800  }
0x3d: {  	v63 =	vld [tilespmem:$0x4E80];
	_ =	sdelay $0x4  }
0x3e: {  	[tilespmem:$0x1FA00] =	vst v63  }
0x3f: {  	[spmem:s2] =	stream.indirect.scatter.add.f32 [tilespmem:s15], [sflag:$0x7], $0x80, s6, s3, $0xb8;
	[tilespmem:$0x1FA80] =	vst v63  }
0x40: {  	_ =	swait.ge [sflag:s26], $0x800  }
0x41: {  	[sflag:s26] =	ssyncset.done $0x0  }
0x42: {  	[sflag:s26] =	ssyncadd.s32 $0xFFFFF800  }
0x43: {  	s17 =	stileid.u32;
	[bflag:$0x0] =	sbarrier.arrive $0xFFFF  }
0x44: {  	s3 =	sshll.u32 s17, $0x6;
	s17 =	simm.s32 $0xE;
	s15 =	rddreg [dreg:$0x6]  }
0x45: {  	s3 =	sor.u32 $0x1C0E, s3;
	s31 =	rddreg [dreg:$0x18];
	s19 =	sshrl.u32 s15, $0x3  }
0x46: {  	[hbm:s31], [sflag:s3] =	dma.local [spmem:s19], $0x2800  }
0x47: {  	_ =	swait.ge [sflag:s17], $0x2800  }
0x48: {  	s31 =	rddreg [dreg:$0x1e]  }
0x49: {  	s19 =	rddreg [dreg:$0x19];
	s31 =	sadd.s32 $0x1, s31  }
0x4a: {  	p0 =	sne.s32 s31, s19  }
.Ltmp1:
0x4b: {  	_ = 	snop;
	(pc) =	sbr.rel @!p0 .LBB2_5-.Ltmp1, $3  }
0x4c: {  	_ =	sdelay $0x1  }
0x4d: {  	[sflag:s17] =	ssyncset.done $0x0  }
0x4e: {  	[sflag:s17] =	ssyncadd.s32 $0xFFFFD800  }
.LBB2_1:
0x4f: {  	[dreg:$0x1e] =	wrdreg s31;
	s19 =	simm.s32 $0x0;
	s3 =	simm.s32 $0xE  }
0x50: {  	s6 =	rddreg [dreg:$0x7];
	s31 =	simm.s32 $0x80;
	s17 =	simm.s32 $0x400  }
0x51: {  	[tilespmem:s19], [sflag:$0xE] =	stream.strided.gather [hbm4b:s6+s31], $0x2780, s17, s31, $0x38;
	[tilespmem:$0x1FA80] =	vst v63  }
0x52: {  	_ =	swait.ge [sflag:s3], $0x2780  }
0x53: {  	s31 =	simm.s32 $0x2780;
	s17 =	simm.s32 $0x80;
	[sflag:s3] =	ssyncset.done $0x0  }
0x54: {  	s19 =	simm.s32 $0x400;
	s6 =	rddreg [dreg:$0x8];
	[sflag:s3] =	ssyncadd.s32 $0xFFFFD880  }
0x55: {  	[tilespmem:s31], [sflag:$0xE] =	stream.strided.gather [hbm4b:s6+s17], $0x2780, s19, s17, $0x38;
	[tilespmem:$0x1FA80] =	vst v63  }
0x56: {  	_ =	swait.ge [sflag:s3], $0x2780  }
0x57: {  	[sflag:s3] =	ssyncset.done $0x0  }
0x58: {  	s31 =	simm.s32 $0x0;
	s6 =	rddreg [dreg:$0x5];
	[sflag:s3] =	ssyncadd.s32 $0xFFFFD880  }
0x59: {  	[tilespmem:s5], [sflag:$0xE] =	stream.linear.gather [hbm4b:s6+s31], $0x1000, $0x38;
	[tilespmem:$0x1FA80] =	vst v63  }
0x5a: {  	_ =	swait.ge [sflag:s3], $0x1000  }
0x5b: {  	[sflag:s3] =	ssyncset.done $0x0  }
0x5c: {  	[sflag:s3] =	ssyncadd.s32 $0xFFFFF000  }
0x5d: {  	[spmem:s15] =	stream.linear.scatter [tilespmem:s5], [sflag:$0xD], $0x1000, $0x38;
	[tilespmem:$0x1FA80] =	vst v63  }
0x5e: {  	s15 =	rddreg [dreg:$0x9]  }
0x5f: {  	[spmem:s15] =	stream.linear.scatter [tilespmem:s5], [sflag:$0xD], $0x1000, $0x38;
	[tilespmem:$0x1FA80] =	vst v63  }
0x60: {  	s3 =	rddreg [dreg:$0xa]  }
0x61: {  	[spmem:s3] =	stream.linear.scatter [tilespmem:s5], [sflag:$0xD], $0x1000, $0x38;
	[tilespmem:$0x1FA80] =	vst v63  }
0x62: {  	s15 =	rddreg [dreg:$0xb]  }
0x63: {  	[spmem:s15] =	stream.linear.scatter [tilespmem:s5], [sflag:$0xD], $0x1000, $0x38;
	[tilespmem:$0x1FA80] =	vst v63  }
0x64: {  	s3 =	rddreg [dreg:$0xc]  }
0x65: {  	[spmem:s3] =	stream.linear.scatter [tilespmem:s5], [sflag:$0xD], $0x1000, $0x38;
	[tilespmem:$0x1FA80] =	vst v63  }
0x66: {  	s15 =	rddreg [dreg:$0xd]  }
0x67: {  	[spmem:s15] =	stream.linear.scatter [tilespmem:s5], [sflag:$0xD], $0x1000, $0x38;
	[tilespmem:$0x1FA80] =	vst v63  }
0x68: {  	s3 =	rddreg [dreg:$0xe]  }
0x69: {  	[spmem:s3] =	stream.linear.scatter [tilespmem:s5], [sflag:$0xD], $0x1000, $0x38;
	[tilespmem:$0x1FA80] =	vst v63  }
0x6a: {  	s15 =	rddreg [dreg:$0xf]  }
0x6b: {  	[spmem:s15] =	stream.linear.scatter [tilespmem:s5], [sflag:$0xD], $0x1000, $0x38;
	[tilespmem:$0x1FA80] =	vst v63  }
0x6c: {  	s3 =	rddreg [dreg:$0x10]  }
0x6d: {  	[spmem:s3] =	stream.linear.scatter [tilespmem:s5], [sflag:$0xD], $0x1000, $0x38;
	[tilespmem:$0x1FA80] =	vst v63  }
0x6e: {  	s15 =	rddreg [dreg:$0x11]  }
0x6f: {  	[spmem:s15] =	stream.linear.scatter [tilespmem:s5], [sflag:$0xD], $0x1000, $0x38;
	[tilespmem:$0x1FA80] =	vst v63  }
0x70: {  	s3 =	rddreg [dreg:$0x12]  }
0x71: {  	[spmem:s3] =	stream.linear.scatter [tilespmem:s5], [sflag:$0xD], $0x1000, $0x38;
	[tilespmem:$0x1FA80] =	vst v63  }
0x72: {  	s15 =	rddreg [dreg:$0x13]  }
0x73: {  	[spmem:s15] =	stream.linear.scatter [tilespmem:s5], [sflag:$0xD], $0x1000, $0x38;
	[tilespmem:$0x1FA80] =	vst v63  }
0x74: {  	s3 =	rddreg [dreg:$0x14]  }
0x75: {  	[spmem:s3] =	stream.linear.scatter [tilespmem:s5], [sflag:$0xD], $0x1000, $0x38;
	[tilespmem:$0x1FA80] =	vst v63  }
0x76: {  	s15 =	rddreg [dreg:$0x15]  }
0x77: {  	[spmem:s15] =	stream.linear.scatter [tilespmem:s5], [sflag:$0xD], $0x1000, $0x38;
	[tilespmem:$0x1FA80] =	vst v63  }
0x78: {  	s3 =	rddreg [dreg:$0x16]  }
0x79: {  	[spmem:s3] =	stream.linear.scatter [tilespmem:s5], [sflag:$0xD], $0x1000, $0x38;
	[tilespmem:$0x1FA80] =	vst v63  }
0x7a: {  	s15 =	rddreg [dreg:$0x17]  }
0x7b: {  	[spmem:s15] =	stream.linear.scatter [tilespmem:s5], [sflag:$0xD], $0x1000, $0x38;
	[tilespmem:$0x1FA80] =	vst v63  }
0x7c: {  	s3 =	rddreg [dreg:$0x1a]  }
0x7d: {  	[spmem:s3] =	stream.linear.scatter [tilespmem:s5], [sflag:$0xD], $0x1000, $0x38;
	[tilespmem:$0x1FA80] =	vst v63  }
0x7e: {  	s15 =	rddreg [dreg:$0x1b]  }
0x7f: {  	[spmem:s15] =	stream.linear.scatter [tilespmem:s5], [sflag:$0xD], $0x1000, $0x38;
	[tilespmem:$0x1FA80] =	vst v63  }
0x80: {  	s3 =	rddreg [dreg:$0x1c]  }
0x81: {  	[spmem:s3] =	stream.linear.scatter [tilespmem:s5], [sflag:$0xD], $0x1000, $0x38;
	[tilespmem:$0x1FA80] =	vst v63  }
0x82: {  	s15 =	rddreg [dreg:$0x1d]  }
0x83: {  	[spmem:s15] =	stream.linear.scatter [tilespmem:s5], [sflag:$0xD], $0x1000, $0x38;
	[tilespmem:$0x1FA80] =	vst v63  }
0x84: {  	_ =	swait.ge [sflag:s7], $0x1000  }
0x85: {  	[sflag:s7] =	ssyncset.done $0x0  }
0x86: {  	[sflag:s7] =	ssyncadd.s32 $0xFFFFF000  }
0x87: {  	_ =	swait.ge [sflag:s7], $0x1000  }
0x88: {  	[sflag:s7] =	ssyncset.done $0x0  }
0x89: {  	[sflag:s7] =	ssyncadd.s32 $0xFFFFF000  }
0x8a: {  	_ =	swait.ge [sflag:s7], $0x1000  }
0x8b: {  	[sflag:s7] =	ssyncset.done $0x0  }
0x8c: {  	[sflag:s7] =	ssyncadd.s32 $0xFFFFF000  }
0x8d: {  	_ =	swait.ge [sflag:s7], $0x1000  }
0x8e: {  	[sflag:s7] =	ssyncset.done $0x0  }
0x8f: {  	[sflag:s7] =	ssyncadd.s32 $0xFFFFF000  }
0x90: {  	_ =	swait.ge [sflag:s7], $0x1000  }
0x91: {  	[sflag:s7] =	ssyncset.done $0x0  }
0x92: {  	[sflag:s7] =	ssyncadd.s32 $0xFFFFF000  }
0x93: {  	_ =	swait.ge [sflag:s7], $0x1000  }
0x94: {  	[sflag:s7] =	ssyncset.done $0x0  }
0x95: {  	[sflag:s7] =	ssyncadd.s32 $0xFFFFF000  }
0x96: {  	_ =	swait.ge [sflag:s7], $0x1000  }
0x97: {  	[sflag:s7] =	ssyncset.done $0x0  }
0x98: {  	[sflag:s7] =	ssyncadd.s32 $0xFFFFF000  }
0x99: {  	_ =	swait.ge [sflag:s7], $0x1000  }
0x9a: {  	[sflag:s7] =	ssyncset.done $0x0  }
0x9b: {  	[sflag:s7] =	ssyncadd.s32 $0xFFFFF000  }
0x9c: {  	_ =	swait.ge [sflag:s7], $0x1000  }
0x9d: {  	[sflag:s7] =	ssyncset.done $0x0  }
0x9e: {  	[sflag:s7] =	ssyncadd.s32 $0xFFFFF000  }
0x9f: {  	_ =	swait.ge [sflag:s7], $0x1000  }
0xa0: {  	[sflag:s7] =	ssyncset.done $0x0  }
0xa1: {  	[sflag:s7] =	ssyncadd.s32 $0xFFFFF000  }
0xa2: {  	_ =	swait.ge [sflag:s7], $0x1000  }
0xa3: {  	[sflag:s7] =	ssyncset.done $0x0  }
0xa4: {  	[sflag:s7] =	ssyncadd.s32 $0xFFFFF000  }
0xa5: {  	_ =	swait.ge [sflag:s7], $0x1000  }
0xa6: {  	[sflag:s7] =	ssyncset.done $0x0  }
0xa7: {  	[sflag:s7] =	ssyncadd.s32 $0xFFFFF000  }
0xa8: {  	_ =	swait.ge [sflag:s7], $0x1000  }
0xa9: {  	[sflag:s7] =	ssyncset.done $0x0  }
0xaa: {  	[sflag:s7] =	ssyncadd.s32 $0xFFFFF000  }
0xab: {  	_ =	swait.ge [sflag:s7], $0x1000  }
0xac: {  	[sflag:s7] =	ssyncset.done $0x0  }
0xad: {  	[sflag:s7] =	ssyncadd.s32 $0xFFFFF000  }
0xae: {  	_ =	swait.ge [sflag:s7], $0x1000  }
0xaf: {  	[sflag:s7] =	ssyncset.done $0x0  }
0xb0: {  	[sflag:s7] =	ssyncadd.s32 $0xFFFFF000  }
0xb1: {  	_ =	swait.ge [sflag:s7], $0x1000  }
0xb2: {  	[sflag:s7] =	ssyncset.done $0x0  }
0xb3: {  	[sflag:s7] =	ssyncadd.s32 $0xFFFFF000  }
0xb4: {  	_ =	swait.ge [sflag:s7], $0x1000  }
0xb5: {  	[sflag:s7] =	ssyncset.done $0x0  }
0xb6: {  	[sflag:s7] =	ssyncadd.s32 $0xFFFFF000  }
0xb7: {  	_ =	swait.ge [sflag:s7], $0x1000  }
0xb8: {  	[sflag:s7] =	ssyncset.done $0x0  }
0xb9: {  	[sflag:s7] =	ssyncadd.s32 $0xFFFFF000  }
0xba: {  	_ =	swait.ge [sflag:s7], $0x1000  }
0xbb: {  	[sflag:s7] =	ssyncset.done $0x0  }
0xbc: {  	[sflag:s7] =	ssyncadd.s32 $0xFFFFF000  }
0xbd: {  	_ =	swait.ge [sflag:s7], $0x1000  }
0xbe: {  	[sflag:s7] =	ssyncset.done $0x0  }
0xbf: {  	[sflag:s7] =	ssyncadd.s32 $0xFFFFF000  }
0xc0: {  	s31 =	simm.s32 $0x0;
	[bflag:$0x0] =	sbarrier.arrive $0xFFFF  }
0xc1: {  	[tilespmem:s5], [sflag:$0x1] =	stream.indirect.gather [hbm4b:s1+s8], $0x80, s31, s8, $0xb8;
	[tilespmem:$0x1FA80] =	vst v63  }
0xc2: {  	_ = 	snop  }
0xc3: {  	[tilespmem:s9], [sflag:$0x2] =	stream.indirect.gather [hbm4b:s1+s8], $0x80, s8, s8, $0xb8;
	[tilespmem:$0x1FA80] =	vst v63  }
0xc4: {  	s31 =	simm.s32 $0x40  }
0xc5: {  	[tilespmem:s10], [sflag:$0x3] =	stream.indirect.gather [hbm4b:s1+s8], $0x80, s31, s8, $0xb8;
	[tilespmem:$0x1FA80] =	vst v63  }
0xc6: {  	s6 =	simm.s32 $0x60  }
0xc7: {  	[tilespmem:s11], [sflag:$0x4] =	stream.indirect.gather [hbm4b:s1+s8], $0x80, s6, s8, $0xb8;
	[tilespmem:$0x1FA80] =	vst v63  }
0xc8: {  	s19 =	simm.s32 $0xB000;
	s17 =	simm.s32 $0xAF80;
	s15 =	simm.s32 $0x80  }
0xc9: {  	[tilespmem:s12], [sflag:$0x5] =	stream.indirect.gather [hbm4b:s1+s8], $0x80, s15, s8, $0xb8;
	[tilespmem:$0x1FA80] =	vst v63  }
0xca: {  	s3 =	simm.s32 $0x0;
	s31 =	simm.s32 $0xA0;
	s6 =	simm.s32 $0x0  }
0xcb: {  	[tilespmem:s13], [sflag:$0x6] =	stream.indirect.gather [hbm4b:s1+s8], $0x80, s31, s8, $0xb8;
	[tilespmem:$0x1FA80] =	vst v63  }
.LBB2_2:
0xcc: {  	_ =	swait.ge [sflag:s14], $0x1000  }
0xcd: {  	[sflag:s14] =	ssyncset.done $0x0  }
0xce: {  	s31 =	sshra.s32 s3, $0x2;
	[sflag:s14] =	ssyncadd.s32 $0xFFFFF000  }
0xcf: {  	v0 =	vld [tilespmem:s31+$0x2780];
	_ =	sdelay $0x4  }
0xd0: {  	[tilespmem:$0xAF00] =	vst v0  }
0xd1: {  	v0 =	vld [tilespmem:s31+$0x2790];
	_ =	sdelay $0x4  }
0xd2: {  	s15 =	simm.s32 $0xAF00;
	[tilespmem:$0xAF10] =	vst v0  }
0xd3: {  	[spmem:s2] =	stream.indirect.scatter.add.f32 [tilespmem:s5], [sflag:$0x7], $0x80, s15, s8, $0xb8;
	[tilespmem:$0x1FA80] =	vst v63  }
0xd4: {  	_ =	swait.ge [sflag:s16], $0x1000  }
0xd5: {  	[sflag:s16] =	ssyncset.done $0x0  }
0xd6: {  	[sflag:s16] =	ssyncadd.s32 $0xFFFFF000  }
0xd7: {  	v59 =	vld [tilespmem:s31+$0x27A0];
	_ =	sdelay $0x4  }
0xd8: {  	[tilespmem:$0xAF80] =	vst v59  }
0xd9: {  	v0 =	vld [tilespmem:s31+$0x27B0];
	_ =	sdelay $0x4  }
0xda: {  	[tilespmem:$0xAF90] =	vst v0  }
0xdb: {  	[spmem:s2] =	stream.indirect.scatter.add.f32 [tilespmem:s9], [sflag:$0x8], $0x80, s17, s8, $0xb8;
	[tilespmem:$0x1FA80] =	vst v63  }
0xdc: {  	_ =	swait.ge [sflag:s18], $0x1000  }
0xdd: {  	[sflag:s18] =	ssyncset.done $0x0  }
0xde: {  	[sflag:s18] =	ssyncadd.s32 $0xFFFFF000  }
0xdf: {  	v60 =	vld [tilespmem:s31+$0x27C0];
	_ =	sdelay $0x4  }
0xe0: {  	[tilespmem:$0xB000] =	vst v60  }
0xe1: {  	v0 =	vld [tilespmem:s31+$0x27D0];
	_ =	sdelay $0x4  }
0xe2: {  	[tilespmem:$0xB010] =	vst v0  }
0xe3: {  	[spmem:s2] =	stream.indirect.scatter.add.f32 [tilespmem:s10], [sflag:$0x9], $0x80, s19, s8, $0xb8;
	[tilespmem:$0x1FA80] =	vst v63  }
0xe4: {  	_ =	swait.ge [sflag:s20], $0x1000  }
0xe5: {  	[sflag:s20] =	ssyncset.done $0x0  }
0xe6: {  	[sflag:s20] =	ssyncadd.s32 $0xFFFFF000  }
0xe7: {  	v61 =	vld [tilespmem:s31+$0x27E0];
	_ =	sdelay $0x4  }
0xe8: {  	[tilespmem:$0xB080] =	vst v61  }
0xe9: {  	v0 =	vld [tilespmem:s31+$0x27F0];
	_ =	sdelay $0x4  }
0xea: {  	[tilespmem:$0xB090] =	vst v0  }
0xeb: {  	[spmem:s2] =	stream.indirect.scatter.add.f32 [tilespmem:s11], [sflag:$0xA], $0x80, s21, s8, $0xb8;
	[tilespmem:$0x1FA80] =	vst v63  }
0xec: {  	_ =	swait.ge [sflag:s22], $0x1000  }
0xed: {  	[sflag:s22] =	ssyncset.done $0x0  }
0xee: {  	s15 =	sand.u32 $0x3FC0, s6;
	[sflag:s22] =	ssyncadd.s32 $0xFFFFF000  }
0xef: {  	v62 =	vld [tilespmem:s15+$0x2800];
	_ =	sdelay $0x4  }
0xf0: {  	[tilespmem:$0xB100] =	vst v62  }
0xf1: {  	v0 =	vld [tilespmem:s31+$0x2810];
	_ =	sdelay $0x4  }
0xf2: {  	[tilespmem:$0xB110] =	vst v0  }
0xf3: {  	[spmem:s2] =	stream.indirect.scatter.add.f32 [tilespmem:s12], [sflag:$0xB], $0x80, s23, s8, $0xb8;
	[tilespmem:$0x1FA80] =	vst v63  }
0xf4: {  	_ =	swait.ge [sflag:s24], $0x1000  }
0xf5: {  	[sflag:s24] =	ssyncset.done $0x0  }
0xf6: {  	[sflag:s24] =	ssyncadd.s32 $0xFFFFF000  }
0xf7: {  	v63 =	vld [tilespmem:s31+$0x2820];
	_ =	sdelay $0x4  }
0xf8: {  	[tilespmem:$0xB180] =	vst v63  }
0xf9: {  	v0 =	vld [tilespmem:s31+$0x2830];
	_ =	sdelay $0x3  }
0xfa: {  	p0 =	seq.s32 s3, $0x9900  }
.Ltmp2:
0xfb: {  	[tilespmem:$0xB190] =	vst v0;
	(pc) =	sbr.rel @p0 .LBB2_4-.Ltmp2, $4  }
0xfc: {  	[spmem:s2] =	stream.indirect.scatter.add.f32 [tilespmem:s13], [sflag:$0xC], $0x80, s25, s8, $0xb8;
	[tilespmem:$0x1FA80] =	vst v63  }
0xfd: {  	_ =	swait.ge [sflag:s26], $0x1000  }
0xfe: {  	[sflag:s26] =	ssyncset.done $0x0  }
0xff: {  	[sflag:s26] =	ssyncadd.s32 $0xFFFFF000  }
0x100: {  	s15 =	sadd.s32 $0xC0, s31  }
0x101: {  	[tilespmem:s5], [sflag:$0x1] =	stream.indirect.gather [hbm4b:s1+s8], $0x80, s15, s8, $0xb8;
	[tilespmem:$0x1FA80] =	vst v63  }
0x102: {  	_ =	swait.ge [sflag:s0], $0x1000  }
0x103: {  	[sflag:s0] =	ssyncset.done $0x0  }
0x104: {  	s15 =	sadd.s32 $0xE0, s31;
	[sflag:s0] =	ssyncadd.s32 $0xFFFFF000  }
0x105: {  	[tilespmem:s9], [sflag:$0x2] =	stream.indirect.gather [hbm4b:s1+s8], $0x80, s15, s8, $0xb8;
	[tilespmem:$0x1FA80] =	vst v63  }
0x106: {  	_ =	swait.ge [sflag:s28], $0x1000  }
0x107: {  	[sflag:s28] =	ssyncset.done $0x0  }
0x108: {  	s15 =	sadd.s32 $0x100, s31;
	[sflag:s28] =	ssyncadd.s32 $0xFFFFF000  }
0x109: {  	[tilespmem:s10], [sflag:$0x3] =	stream.indirect.gather [hbm4b:s1+s8], $0x80, s15, s8, $0xb8;
	[tilespmem:$0x1FA80] =	vst v63  }
0x10a: {  	_ =	swait.ge [sflag:s29], $0x1000  }
0x10b: {  	[sflag:s29] =	ssyncset.done $0x0  }
0x10c: {  	s15 =	sadd.s32 $0x120, s31;
	[sflag:s29] =	ssyncadd.s32 $0xFFFFF000  }
0x10d: {  	[tilespmem:s11], [sflag:$0x4] =	stream.indirect.gather [hbm4b:s1+s8], $0x80, s15, s8, $0xb8;
	[tilespmem:$0x1FA80] =	vst v63  }
0x10e: {  	_ =	swait.ge [sflag:s30], $0x1000  }
0x10f: {  	[sflag:s30] =	ssyncset.done $0x0  }
0x110: {  	s15 =	sadd.s32 $0x140, s31;
	[sflag:s30] =	ssyncadd.s32 $0xFFFFF000  }
0x111: {  	[tilespmem:s12], [sflag:$0x5] =	stream.indirect.gather [hbm4b:s1+s8], $0x80, s15, s8, $0xb8;
	[tilespmem:$0x1FA80] =	vst v63  }
.Ltmp3:
0x112: {  	_ = 	snop;
	(pc) =	sbr.rel .LBB2_2-.Ltmp3, $4  }
0x113: {  	_ =	swait.ge [sflag:s4], $0x1000  }
0x114: {  	s3 =	sadd.s32 $0x300, s3;
	[sflag:s4] =	ssyncset.done $0x0  }
0x115: {  	s6 =	sadd.s32 $0xC0, s6;
	s31 =	sadd.s32 $0x160, s31;
	[sflag:s4] =	ssyncadd.s32 $0xFFFFF000  }
0x116: {  	[tilespmem:s13], [sflag:$0x6] =	stream.indirect.gather [hbm4b:s1+s8], $0x80, s31, s8, $0xb8;
	[tilespmem:$0x1FA80] =	vst v63  }
.LBB2_5:
0x117: {  	_ =	sfence.sel $0x180000  }
0x118: {  	[bflag:$0x0] =	sbarrier.arrive $0xFFFF  }
0x119: {  	_ =	strace $0x90000047  }
0x11a: {  	s0 =	stileid.u32;
	[bflag:$0x2] =	sbarrier.arrive $0xFFFF  }
0x11b: {  	p0 =	sne.s32 s0, $0x0;
	s0 =	rddreg [dreg:$0x4]  }
0x11c: {  	s0 =	sadd.s32 @!p0 $0x100000, s0  }
0x11d: {  	[sflag:s0] =	ssyncadd.tile.s32 @!p0 $0x1;
	_ =	shalt  }
.Lfunc_end2:
_tile_overlayer_lowered:
.L_overlay_start_2:
0x11e: {  	(tag) =	ssettag $0x2  }
0x11f: {  	s0 =	rddreg [dreg:$0x0];
	s2 =	stileid.u32  }
0x120: {  	s1 =	rddreg [dreg:$0x1];
	p0 =	sne.s32 s2, $0x0  }
0x121: {  	s3 =	rddreg [dreg:$0x2];
	[bflag:$0x3] =	sbarrier.arrive $0xFFFF;
	s2 =	simm.s32 @!p0 $0x1C0E  }
0x122: {  	[timem:s3], [sflag:s2] =	dma.local @!p0 [hbm:s0], s1  }
0x123: {  	s0 =	simm.s32 @!p0 $0xE  }
0x124: {  	_ =	swait.ge @!p0 [sflag:s0], s1  }
0x125: {  	s1 =	ssub.s32 @!p0 $0x0, s1;
	[sflag:s0] =	ssyncset.done @!p0 $0x0  }
0x126: {  	[sflag:s0] =	ssyncadd.s32 @!p0 s1  }
0x127: {  	[bflag:$0x3] =	sbarrier.arrive $0xFFFF  }
0x128: {  	_ =	shalt  }

</sc_bundles>
